<compile_context>
chip_gen: v7x
topology: tpu7x:2x2x1
jax: 0.10.2.dev20260603
libtpu: 0.0.44.dev20260713+nightly
codegen_flags: <defaults>
</compile_context>

<pallas_src>
import functools

import jax
import jax.numpy as jnp
from jax import lax
from jax.experimental import pallas as pl
from jax.experimental.pallas import tpu as pltpu
from jax.experimental.pallas import tpu_sc as plsc

_NC = 2
_NS = 16
_NW = _NC * _NS
_NBUF = 4


def _sc_gather_body(n_per_w, chunk, n_chunks, table_hbm, idx_hbm, out_hbm,
                    idx_v, rows_v, gat_sem, st_sem):
  wid = lax.axis_index("s") * _NC + lax.axis_index("c")
  base = wid * n_per_w

  def start_gather(slot, c):
    pltpu.sync_copy(idx_hbm.at[pl.ds(base + c * chunk, chunk)], idx_v.at[slot])
    pltpu.make_async_copy(table_hbm.at[idx_v.at[slot]], rows_v.at[slot],
                          gat_sem.at[slot]).start()

  def wait_gather(slot):
    pltpu.make_async_copy(table_hbm.at[idx_v.at[slot]], rows_v.at[slot],
                          gat_sem.at[slot]).wait()

  def start_store(slot, c):
    pltpu.make_async_copy(rows_v.at[slot],
                          out_hbm.at[pl.ds(base + c * chunk, chunk)],
                          st_sem.at[slot]).start()

  def wait_store(slot):
    pltpu.make_async_copy(rows_v.at[slot],
                          out_hbm.at[pl.ds(base, chunk)],
                          st_sem.at[slot]).wait()

  for s in range(_NBUF):
    start_gather(s, s)

  def outer(i, _):
    c0 = i * _NBUF
    for s in range(_NBUF):
      c = c0 + s
      wait_gather(s)
      start_store(s, c)

      @pl.when(c + _NBUF < n_chunks)
      def _():
        wait_store(s)
        start_gather(s, c + _NBUF)
    return ()

  lax.fori_loop(0, n_chunks // _NBUF, outer, ())

  for s in range(_NBUF):
    wait_store(s)


def _sc_gather(table, idx, chunk=32):
  n = idx.shape[0]
  d = table.shape[1]
  assert n % (_NW * chunk) == 0
  n_per_w = n // _NW
  n_chunks = n_per_w // chunk
  assert n_chunks % _NBUF == 0
  mesh = plsc.VectorSubcoreMesh(core_axis_name="c", subcore_axis_name="s")
  body = functools.partial(_sc_gather_body, n_per_w, chunk, n_chunks)
  return pl.kernel(
      body,
      out_type=jax.ShapeDtypeStruct((n, d), table.dtype),
      mesh=mesh,
      scratch_types=[
          pltpu.VMEM((_NBUF, chunk), jnp.int32),
          pltpu.VMEM((_NBUF, chunk, d), table.dtype),
          pltpu.SemaphoreType.DMA((_NBUF,)),
          pltpu.SemaphoreType.DMA((_NBUF,)),
      ],
  )(table, idx)


def _tc_matmul_body(a_ref, w_ref, b_ref, o_ref):
  o_ref[...] = (
      jnp.dot(a_ref[...], w_ref[...], preferred_element_type=jnp.float32)
      + b_ref[...]
  )


def _tc_matmul(a, w, b, bm=2048):
  n, k = a.shape
  h = w.shape[1]
  grid = (n // bm,)
  return pl.pallas_call(
      _tc_matmul_body,
      grid=grid,
      in_specs=[
          pl.BlockSpec((bm, k), lambda i: (i, 0)),
          pl.BlockSpec((k, h), lambda i: (0, 0)),
          pl.BlockSpec((1, h), lambda i: (0, 0)),
      ],
      out_specs=pl.BlockSpec((bm, h), lambda i: (i, 0)),
      out_shape=jax.ShapeDtypeStruct((n, h), jnp.float32),
  )(a, w, b.reshape(1, h))


def kernel(x, table, W, b):
  bsz, seq = x.shape
  h = W.shape[1]
  d = table.shape[1]
  idx = x.T.reshape(-1).astype(jnp.int32)
  llm_flat = _sc_gather(table, idx, chunk=16)
  emb_flat = _tc_matmul(llm_flat, W, b)
  emb = emb_flat.reshape(seq, bsz, h).transpose(1, 0, 2)
  llm = llm_flat.reshape(seq, bsz, d).transpose(1, 0, 2)
  return emb, llm

# --- scband reference (transcript-rebuilt; emitter-appended) ---
"""Pipeline reference for scband-llmcompress-embedding-88510686036283 (READ-ONLY COPY).

The authoritative reference and input builder live on the scoring server;
editing this copy changes nothing except your own understanding.
"""

import jax, jax.numpy as jnp
import numpy as np

VOCAB = 100000
LLM_H = 1024
H = 128
B = 1024
L = 50

def setup_inputs(seed: int = 0) -> dict:
    key = jax.random.key(seed)
    k1, k2, k3 = jax.random.split(key, 3)
    x = jax.random.randint(k1, (B, L), 0, VOCAB, dtype=jnp.int64) if jax.config.jax_enable_x64 else jax.random.randint(k1, (B, L), 0, VOCAB, dtype=jnp.int32)
    table = jax.random.normal(k2, (VOCAB, LLM_H), dtype=jnp.float32) * 0.02
    W = jax.random.normal(k3, (LLM_H, H), dtype=jnp.float32) * 0.02
    b = jnp.zeros((H,), dtype=jnp.float32)
    return {"x": x, "table": table, "W": W, "b": b}

def reference(x, table, W, b):
    # nn.Embedding: gather rows of the table
    llm_embeddings = jnp.take(table, x, axis=0)  # (B, L, LLM_H)
    # nn.Linear: compress llm_hidden_states -> hidden_states
    embeddings = llm_embeddings @ W + b  # (B, L, H)
    # dropout is identity in eval/deterministic mode
    return (embeddings, llm_embeddings)

if __name__ == "__main__":
    import jax
    _d = setup_inputs()
    print(jax.jit(kernel)(*tuple(_d.values())))

</pallas_src>

<mosaic_0001>
#map = affine_map<(d0, d1) -> (0, 0)>
#map1 = affine_map<(d0, d1) -> (0)>
module attributes {stable_mosaic.version = 14 : i64} {
  func.func @_sc_gather_body(%arg0: i32, %arg1: i32, %arg2: memref<100000x1024xf32, #tpu.memory_space<hbm>>, %arg3: memref<51200xi32, #tpu.memory_space<hbm>>, %arg4: memref<51200x1024xf32, #tpu.memory_space<hbm>>, %arg5: memref<4x16xi32, #tpu.memory_space<vmem>>, %arg6: memref<4x16x1024xf32, #tpu.memory_space<vmem>>, %arg7: memref<4x!tpu.dma_semaphore, #tpu.memory_space<semaphore_mem>>, %arg8: memref<4x!tpu.dma_semaphore, #tpu.memory_space<semaphore_mem>>) attributes {dimension_semantics = [#tpu.dimension_semantics<core_parallel>, #tpu.dimension_semantics<subcore_parallel>], iteration_bounds = array<i64: 2, 16>, scalar_prefetch = 0 : i64, scratch_operands = 4 : i64, tpu.core_type = #tpu.core_type<sc_vector_subcore>, window_params = [{transform_indices = #map}, {transform_indices = #map1}, {transform_indices = #map}]} {
    %mul3A = arith.constant 2 : i32
    %mul3A_0 = arith.muli %arg1, %mul3A : i32
    %add3A = arith.addi %mul3A_0, %arg0 : i32
    %mul3A_1 = arith.constant 1600 : i32
    %mul3A_2 = arith.muli %add3A, %mul3A_1 : i32
    %add3A_3 = arith.constant 0 : i32
    %add3A_4 = arith.addi %mul3A_2, %add3A_3 : i32
    %run_scoped3A = arith.constant 0 : i32
    "tpu.region"() ({
      %run_scoped3A_140 = tpu.sem_alloc : memref<!tpu.dma_semaphore, #tpu.memory_space<semaphore_mem>>
      %dma_start3A_141 = arith.constant 0 : i32
      %dma_start3A_142 = tpu.memref_slice %arg5[%run_scoped3A, %dma_start3A_141] : memref<4x16xi32, #tpu.memory_space<vmem>> -> memref<1x16xi32, #tpu.memory_space<vmem>>
      %dma_start3A_143 = tpu.memref_squeeze %dma_start3A_142 : memref<1x16xi32, #tpu.memory_space<vmem>> -> memref<16xi32, #tpu.memory_space<vmem>>
      %dma_start3A_144 = tpu.memref_slice %arg3[%add3A_4] : memref<51200xi32, #tpu.memory_space<hbm>> -> memref<16xi32, #tpu.memory_space<hbm>>
      %dma_start3A_145 = arith.constant 0 : i32
      %dma_start3A_146 = tpu.memref_slice %arg5[%run_scoped3A, %dma_start3A_145] : memref<4x16xi32, #tpu.memory_space<vmem>> -> memref<1x16xi32, #tpu.memory_space<vmem>>
      %dma_start3A_147 = tpu.memref_squeeze %dma_start3A_146 : memref<1x16xi32, #tpu.memory_space<vmem>> -> memref<16xi32, #tpu.memory_space<vmem>>
      %dma_start3A_148 = tpu.memref_slice %arg3[%add3A_4] : memref<51200xi32, #tpu.memory_space<hbm>> -> memref<16xi32, #tpu.memory_space<hbm>>
      tpu.enqueue_dma source(%dma_start3A_148 : memref<16xi32, #tpu.memory_space<hbm>>) target(%dma_start3A_147 : memref<16xi32, #tpu.memory_space<vmem>>) target_semaphore(%run_scoped3A_140 : memref<!tpu.dma_semaphore, #tpu.memory_space<semaphore_mem>>)
      %dma_wait3A_149 = arith.constant 0 : i32
      %dma_wait3A_150 = tpu.memref_slice %arg5[%run_scoped3A, %dma_wait3A_149] : memref<4x16xi32, #tpu.memory_space<vmem>> -> memref<1x16xi32, #tpu.memory_space<vmem>>
      %dma_wait3A_151 = tpu.memref_squeeze %dma_wait3A_150 : memref<1x16xi32, #tpu.memory_space<vmem>> -> memref<16xi32, #tpu.memory_space<vmem>>
      %dma_wait3A_152 = tpu.memref_slice %arg3[%add3A_4] : memref<51200xi32, #tpu.memory_space<hbm>> -> memref<16xi32, #tpu.memory_space<hbm>>
      %dma_wait3A_153 = arith.constant 0 : i32
      %dma_wait3A_154 = tpu.memref_slice %arg5[%run_scoped3A, %dma_wait3A_153] : memref<4x16xi32, #tpu.memory_space<vmem>> -> memref<1x16xi32, #tpu.memory_space<vmem>>
      %dma_wait3A_155 = tpu.memref_squeeze %dma_wait3A_154 : memref<1x16xi32, #tpu.memory_space<vmem>> -> memref<16xi32, #tpu.memory_space<vmem>>
      %dma_wait3A_156 = tpu.memref_slice %arg3[%add3A_4] : memref<51200xi32, #tpu.memory_space<hbm>> -> memref<16xi32, #tpu.memory_space<hbm>>
      tpu.wait_dma2 semaphore(%run_scoped3A_140 : memref<!tpu.dma_semaphore, #tpu.memory_space<semaphore_mem>>) src(%dma_wait3A_156 : memref<16xi32, #tpu.memory_space<hbm>>) dst(%dma_wait3A_155 : memref<16xi32, #tpu.memory_space<vmem>>)
      tpu.yield
    }) : () -> ()
    %dma_start3A = arith.constant 0 : i32
    %dma_start3A_5 = arith.constant 0 : i32
    %dma_start3A_6 = arith.constant 0 : i32
    %dma_start3A_7 = arith.constant 0 : i32
    %dma_start3A_8 = arith.constant 0 : i32
    %dma_start3A_9 = tpu.memref_slice %arg6[%dma_start3A_5, %dma_start3A_7, %dma_start3A_8] : memref<4x16x1024xf32, #tpu.memory_space<vmem>> -> memref<1x16x1024xf32, #tpu.memory_space<vmem>>
    %dma_start3A_10 = tpu.memref_squeeze %dma_start3A_9 : memref<1x16x1024xf32, #tpu.memory_space<vmem>> -> memref<16x1024xf32, #tpu.memory_space<vmem>>
    %dma_start3A_11 = arith.constant 0 : i32
    %dma_start3A_12 = tpu.memref_slice %arg5[%dma_start3A, %dma_start3A_11] : memref<4x16xi32, #tpu.memory_space<vmem>> -> memref<1x16xi32, #tpu.memory_space<vmem>>
    %dma_start3A_13 = tpu.memref_squeeze %dma_start3A_12 : memref<1x16xi32, #tpu.memory_space<vmem>> -> memref<16xi32, #tpu.memory_space<vmem>>
    %dma_start3A_14 = arith.constant 0 : i32
    %dma_start3A_15 = arith.constant 0 : i32
    %dma_start3A_16 = tpu.memref_slice %arg2[%dma_start3A_14, %dma_start3A_15] : memref<100000x1024xf32, #tpu.memory_space<hbm>> -> memref<100000x1024xf32, #tpu.memory_space<hbm>>
    %dma_start3A_17 = tpu.memref_slice %arg7[%dma_start3A_6] : memref<4x!tpu.dma_semaphore, #tpu.memory_space<semaphore_mem>> -> memref<1x!tpu.dma_semaphore, #tpu.memory_space<semaphore_mem>>
    %dma_start3A_18 = tpu.memref_squeeze %dma_start3A_17 : memref<1x!tpu.dma_semaphore, #tpu.memory_space<semaphore_mem>> -> memref<!tpu.dma_semaphore, #tpu.memory_space<semaphore_mem>>
    tpu.enqueue_indirect_dma source(%dma_start3A_16 : memref<100000x1024xf32, #tpu.memory_space<hbm>>) target(%dma_start3A_10 : memref<16x1024xf32, #tpu.memory_space<vmem>>) offsets(%dma_start3A_13 : memref<16xi32, #tpu.memory_space<vmem>>) semaphore(%dma_start3A_18 : memref<!tpu.dma_semaphore, #tpu.memory_space<semaphore_mem>>)
    %add3A_19 = arith.constant 16 : i32
    %add3A_20 = arith.addi %mul3A_2, %add3A_19 : i32
    %run_scoped3A_21 = arith.constant 1 : i32
    "tpu.region"() ({
      %run_scoped3A_140 = tpu.sem_alloc : memref<!tpu.dma_semaphore, #tpu.memory_space<semaphore_mem>>
      %dma_start3A_141 = arith.constant 0 : i32
      %dma_start3A_142 = tpu.memref_slice %arg5[%run_scoped3A_21, %dma_start3A_141] : memref<4x16xi32, #tpu.memory_space<vmem>> -> memref<1x16xi32, #tpu.memory_space<vmem>>
      %dma_start3A_143 = tpu.memref_squeeze %dma_start3A_142 : memref<1x16xi32, #tpu.memory_space<vmem>> -> memref<16xi32, #tpu.memory_space<vmem>>
      %dma_start3A_144 = tpu.memref_slice %arg3[%add3A_20] : memref<51200xi32, #tpu.memory_space<hbm>> -> memref<16xi32, #tpu.memory_space<hbm>>
      %dma_start3A_145 = arith.constant 0 : i32
      %dma_start3A_146 = tpu.memref_slice %arg5[%run_scoped3A_21, %dma_start3A_145] : memref<4x16xi32, #tpu.memory_space<vmem>> -> memref<1x16xi32, #tpu.memory_space<vmem>>
      %dma_start3A_147 = tpu.memref_squeeze %dma_start3A_146 : memref<1x16xi32, #tpu.memory_space<vmem>> -> memref<16xi32, #tpu.memory_space<vmem>>
      %dma_start3A_148 = tpu.memref_slice %arg3[%add3A_20] : memref<51200xi32, #tpu.memory_space<hbm>> -> memref<16xi32, #tpu.memory_space<hbm>>
      tpu.enqueue_dma source(%dma_start3A_148 : memref<16xi32, #tpu.memory_space<hbm>>) target(%dma_start3A_147 : memref<16xi32, #tpu.memory_space<vmem>>) target_semaphore(%run_scoped3A_140 : memref<!tpu.dma_semaphore, #tpu.memory_space<semaphore_mem>>)
      %dma_wait3A_149 = arith.constant 0 : i32
      %dma_wait3A_150 = tpu.memref_slice %arg5[%run_scoped3A_21, %dma_wait3A_149] : memref<4x16xi32, #tpu.memory_space<vmem>> -> memref<1x16xi32, #tpu.memory_space<vmem>>
      %dma_wait3A_151 = tpu.memref_squeeze %dma_wait3A_150 : memref<1x16xi32, #tpu.memory_space<vmem>> -> memref<16xi32, #tpu.memory_space<vmem>>
      %dma_wait3A_152 = tpu.memref_slice %arg3[%add3A_20] : memref<51200xi32, #tpu.memory_space<hbm>> -> memref<16xi32, #tpu.memory_space<hbm>>
      %dma_wait3A_153 = arith.constant 0 : i32
      %dma_wait3A_154 = tpu.memref_slice %arg5[%run_scoped3A_21, %dma_wait3A_153] : memref<4x16xi32, #tpu.memory_space<vmem>> -> memref<1x16xi32, #tpu.memory_space<vmem>>
      %dma_wait3A_155 = tpu.memref_squeeze %dma_wait3A_154 : memref<1x16xi32, #tpu.memory_space<vmem>> -> memref<16xi32, #tpu.memory_space<vmem>>
      %dma_wait3A_156 = tpu.memref_slice %arg3[%add3A_20] : memref<51200xi32, #tpu.memory_space<hbm>> -> memref<16xi32, #tpu.memory_space<hbm>>
      tpu.wait_dma2 semaphore(%run_scoped3A_140 : memref<!tpu.dma_semaphore, #tpu.memory_space<semaphore_mem>>) src(%dma_wait3A_156 : memref<16xi32, #tpu.memory_space<hbm>>) dst(%dma_wait3A_155 : memref<16xi32, #tpu.memory_space<vmem>>)
      tpu.yield
    }) : () -> ()
    %dma_start3A_22 = arith.constant 1 : i32
    %dma_start3A_23 = arith.constant 1 : i32
    %dma_start3A_24 = arith.constant 1 : i32
    %dma_start3A_25 = arith.constant 0 : i32
    %dma_start3A_26 = arith.constant 0 : i32
    %dma_start3A_27 = tpu.memref_slice %arg6[%dma_start3A_23, %dma_start3A_25, %dma_start3A_26] : memref<4x16x1024xf32, #tpu.memory_space<vmem>> -> memref<1x16x1024xf32, #tpu.memory_space<vmem>>
    %dma_start3A_28 = tpu.memref_squeeze %dma_start3A_27 : memref<1x16x1024xf32, #tpu.memory_space<vmem>> -> memref<16x1024xf32, #tpu.memory_space<vmem>>
    %dma_start3A_29 = arith.constant 0 : i32
    %dma_start3A_30 = tpu.memref_slice %arg5[%dma_start3A_22, %dma_start3A_29] : memref<4x16xi32, #tpu.memory_space<vmem>> -> memref<1x16xi32, #tpu.memory_space<vmem>>
    %dma_start3A_31 = tpu.memref_squeeze %dma_start3A_30 : memref<1x16xi32, #tpu.memory_space<vmem>> -> memref<16xi32, #tpu.memory_space<vmem>>
    %dma_start3A_32 = arith.constant 0 : i32
    %dma_start3A_33 = arith.constant 0 : i32
    %dma_start3A_34 = tpu.memref_slice %arg2[%dma_start3A_32, %dma_start3A_33] : memref<100000x1024xf32, #tpu.memory_space<hbm>> -> memref<100000x1024xf32, #tpu.memory_space<hbm>>
    %dma_start3A_35 = tpu.memref_slice %arg7[%dma_start3A_24] : memref<4x!tpu.dma_semaphore, #tpu.memory_space<semaphore_mem>> -> memref<1x!tpu.dma_semaphore, #tpu.memory_space<semaphore_mem>>
    %dma_start3A_36 = tpu.memref_squeeze %dma_start3A_35 : memref<1x!tpu.dma_semaphore, #tpu.memory_space<semaphore_mem>> -> memref<!tpu.dma_semaphore, #tpu.memory_space<semaphore_mem>>
    tpu.enqueue_indirect_dma source(%dma_start3A_34 : memref<100000x1024xf32, #tpu.memory_space<hbm>>) target(%dma_start3A_28 : memref<16x1024xf32, #tpu.memory_space<vmem>>) offsets(%dma_start3A_31 : memref<16xi32, #tpu.memory_space<vmem>>) semaphore(%dma_start3A_36 : memref<!tpu.dma_semaphore, #tpu.memory_space<semaphore_mem>>)
    %add3A_37 = arith.constant 32 : i32
    %add3A_38 = arith.addi %mul3A_2, %add3A_37 : i32
    %run_scoped3A_39 = arith.constant 2 : i32
    "tpu.region"() ({
      %run_scoped3A_140 = tpu.sem_alloc : memref<!tpu.dma_semaphore, #tpu.memory_space<semaphore_mem>>
      %dma_start3A_141 = arith.constant 0 : i32
      %dma_start3A_142 = tpu.memref_slice %arg5[%run_scoped3A_39, %dma_start3A_141] : memref<4x16xi32, #tpu.memory_space<vmem>> -> memref<1x16xi32, #tpu.memory_space<vmem>>
      %dma_start3A_143 = tpu.memref_squeeze %dma_start3A_142 : memref<1x16xi32, #tpu.memory_space<vmem>> -> memref<16xi32, #tpu.memory_space<vmem>>
      %dma_start3A_144 = tpu.memref_slice %arg3[%add3A_38] : memref<51200xi32, #tpu.memory_space<hbm>> -> memref<16xi32, #tpu.memory_space<hbm>>
      %dma_start3A_145 = arith.constant 0 : i32
      %dma_start3A_146 = tpu.memref_slice %arg5[%run_scoped3A_39, %dma_start3A_145] : memref<4x16xi32, #tpu.memory_space<vmem>> -> memref<1x16xi32, #tpu.memory_space<vmem>>
      %dma_start3A_147 = tpu.memref_squeeze %dma_start3A_146 : memref<1x16xi32, #tpu.memory_space<vmem>> -> memref<16xi32, #tpu.memory_space<vmem>>
      %dma_start3A_148 = tpu.memref_slice %arg3[%add3A_38] : memref<51200xi32, #tpu.memory_space<hbm>> -> memref<16xi32, #tpu.memory_space<hbm>>
      tpu.enqueue_dma source(%dma_start3A_148 : memref<16xi32, #tpu.memory_space<hbm>>) target(%dma_start3A_147 : memref<16xi32, #tpu.memory_space<vmem>>) target_semaphore(%run_scoped3A_140 : memref<!tpu.dma_semaphore, #tpu.memory_space<semaphore_mem>>)
      %dma_wait3A_149 = arith.constant 0 : i32
      %dma_wait3A_150 = tpu.memref_slice %arg5[%run_scoped3A_39, %dma_wait3A_149] : memref<4x16xi32, #tpu.memory_space<vmem>> -> memref<1x16xi32, #tpu.memory_space<vmem>>
      %dma_wait3A_151 = tpu.memref_squeeze %dma_wait3A_150 : memref<1x16xi32, #tpu.memory_space<vmem>> -> memref<16xi32, #tpu.memory_space<vmem>>
      %dma_wait3A_152 = tpu.memref_slice %arg3[%add3A_38] : memref<51200xi32, #tpu.memory_space<hbm>> -> memref<16xi32, #tpu.memory_space<hbm>>
      %dma_wait3A_153 = arith.constant 0 : i32
      %dma_wait3A_154 = tpu.memref_slice %arg5[%run_scoped3A_39, %dma_wait3A_153] : memref<4x16xi32, #tpu.memory_space<vmem>> -> memref<1x16xi32, #tpu.memory_space<vmem>>
      %dma_wait3A_155 = tpu.memref_squeeze %dma_wait3A_154 : memref<1x16xi32, #tpu.memory_space<vmem>> -> memref<16xi32, #tpu.memory_space<vmem>>
      %dma_wait3A_156 = tpu.memref_slice %arg3[%add3A_38] : memref<51200xi32, #tpu.memory_space<hbm>> -> memref<16xi32, #tpu.memory_space<hbm>>
      tpu.wait_dma2 semaphore(%run_scoped3A_140 : memref<!tpu.dma_semaphore, #tpu.memory_space<semaphore_mem>>) src(%dma_wait3A_156 : memref<16xi32, #tpu.memory_space<hbm>>) dst(%dma_wait3A_155 : memref<16xi32, #tpu.memory_space<vmem>>)
      tpu.yield
    }) : () -> ()
    %dma_start3A_40 = arith.constant 2 : i32
    %dma_start3A_41 = arith.constant 2 : i32
    %dma_start3A_42 = arith.constant 2 : i32
    %dma_start3A_43 = arith.constant 0 : i32
    %dma_start3A_44 = arith.constant 0 : i32
    %dma_start3A_45 = tpu.memref_slice %arg6[%dma_start3A_41, %dma_start3A_43, %dma_start3A_44] : memref<4x16x1024xf32, #tpu.memory_space<vmem>> -> memref<1x16x1024xf32, #tpu.memory_space<vmem>>
    %dma_start3A_46 = tpu.memref_squeeze %dma_start3A_45 : memref<1x16x1024xf32, #tpu.memory_space<vmem>> -> memref<16x1024xf32, #tpu.memory_space<vmem>>
    %dma_start3A_47 = arith.constant 0 : i32
    %dma_start3A_48 = tpu.memref_slice %arg5[%dma_start3A_40, %dma_start3A_47] : memref<4x16xi32, #tpu.memory_space<vmem>> -> memref<1x16xi32, #tpu.memory_space<vmem>>
    %dma_start3A_49 = tpu.memref_squeeze %dma_start3A_48 : memref<1x16xi32, #tpu.memory_space<vmem>> -> memref<16xi32, #tpu.memory_space<vmem>>
    %dma_start3A_50 = arith.constant 0 : i32
    %dma_start3A_51 = arith.constant 0 : i32
    %dma_start3A_52 = tpu.memref_slice %arg2[%dma_start3A_50, %dma_start3A_51] : memref<100000x1024xf32, #tpu.memory_space<hbm>> -> memref<100000x1024xf32, #tpu.memory_space<hbm>>
    %dma_start3A_53 = tpu.memref_slice %arg7[%dma_start3A_42] : memref<4x!tpu.dma_semaphore, #tpu.memory_space<semaphore_mem>> -> memref<1x!tpu.dma_semaphore, #tpu.memory_space<semaphore_mem>>
    %dma_start3A_54 = tpu.memref_squeeze %dma_start3A_53 : memref<1x!tpu.dma_semaphore, #tpu.memory_space<semaphore_mem>> -> memref<!tpu.dma_semaphore, #tpu.memory_space<semaphore_mem>>
    tpu.enqueue_indirect_dma source(%dma_start3A_52 : memref<100000x1024xf32, #tpu.memory_space<hbm>>) target(%dma_start3A_46 : memref<16x1024xf32, #tpu.memory_space<vmem>>) offsets(%dma_start3A_49 : memref<16xi32, #tpu.memory_space<vmem>>) semaphore(%dma_start3A_54 : memref<!tpu.dma_semaphore, #tpu.memory_space<semaphore_mem>>)
    %add3A_55 = arith.constant 48 : i32
    %add3A_56 = arith.addi %mul3A_2, %add3A_55 : i32
    %run_scoped3A_57 = arith.constant 3 : i32
    "tpu.region"() ({
      %run_scoped3A_140 = tpu.sem_alloc : memref<!tpu.dma_semaphore, #tpu.memory_space<semaphore_mem>>
      %dma_start3A_141 = arith.constant 0 : i32
      %dma_start3A_142 = tpu.memref_slice %arg5[%run_scoped3A_57, %dma_start3A_141] : memref<4x16xi32, #tpu.memory_space<vmem>> -> memref<1x16xi32, #tpu.memory_space<vmem>>
      %dma_start3A_143 = tpu.memref_squeeze %dma_start3A_142 : memref<1x16xi32, #tpu.memory_space<vmem>> -> memref<16xi32, #tpu.memory_space<vmem>>
      %dma_start3A_144 = tpu.memref_slice %arg3[%add3A_56] : memref<51200xi32, #tpu.memory_space<hbm>> -> memref<16xi32, #tpu.memory_space<hbm>>
      %dma_start3A_145 = arith.constant 0 : i32
      %dma_start3A_146 = tpu.memref_slice %arg5[%run_scoped3A_57, %dma_start3A_145] : memref<4x16xi32, #tpu.memory_space<vmem>> -> memref<1x16xi32, #tpu.memory_space<vmem>>
      %dma_start3A_147 = tpu.memref_squeeze %dma_start3A_146 : memref<1x16xi32, #tpu.memory_space<vmem>> -> memref<16xi32, #tpu.memory_space<vmem>>
      %dma_start3A_148 = tpu.memref_slice %arg3[%add3A_56] : memref<51200xi32, #tpu.memory_space<hbm>> -> memref<16xi32, #tpu.memory_space<hbm>>
      tpu.enqueue_dma source(%dma_start3A_148 : memref<16xi32, #tpu.memory_space<hbm>>) target(%dma_start3A_147 : memref<16xi32, #tpu.memory_space<vmem>>) target_semaphore(%run_scoped3A_140 : memref<!tpu.dma_semaphore, #tpu.memory_space<semaphore_mem>>)
      %dma_wait3A_149 = arith.constant 0 : i32
      %dma_wait3A_150 = tpu.memref_slice %arg5[%run_scoped3A_57, %dma_wait3A_149] : memref<4x16xi32, #tpu.memory_space<vmem>> -> memref<1x16xi32, #tpu.memory_space<vmem>>
      %dma_wait3A_151 = tpu.memref_squeeze %dma_wait3A_150 : memref<1x16xi32, #tpu.memory_space<vmem>> -> memref<16xi32, #tpu.memory_space<vmem>>
      %dma_wait3A_152 = tpu.memref_slice %arg3[%add3A_56] : memref<51200xi32, #tpu.memory_space<hbm>> -> memref<16xi32, #tpu.memory_space<hbm>>
      %dma_wait3A_153 = arith.constant 0 : i32
      %dma_wait3A_154 = tpu.memref_slice %arg5[%run_scoped3A_57, %dma_wait3A_153] : memref<4x16xi32, #tpu.memory_space<vmem>> -> memref<1x16xi32, #tpu.memory_space<vmem>>
      %dma_wait3A_155 = tpu.memref_squeeze %dma_wait3A_154 : memref<1x16xi32, #tpu.memory_space<vmem>> -> memref<16xi32, #tpu.memory_space<vmem>>
      %dma_wait3A_156 = tpu.memref_slice %arg3[%add3A_56] : memref<51200xi32, #tpu.memory_space<hbm>> -> memref<16xi32, #tpu.memory_space<hbm>>
      tpu.wait_dma2 semaphore(%run_scoped3A_140 : memref<!tpu.dma_semaphore, #tpu.memory_space<semaphore_mem>>) src(%dma_wait3A_156 : memref<16xi32, #tpu.memory_space<hbm>>) dst(%dma_wait3A_155 : memref<16xi32, #tpu.memory_space<vmem>>)
      tpu.yield
    }) : () -> ()
    %dma_start3A_58 = arith.constant 3 : i32
    %dma_start3A_59 = arith.constant 3 : i32
    %dma_start3A_60 = arith.constant 3 : i32
    %dma_start3A_61 = arith.constant 0 : i32
    %dma_start3A_62 = arith.constant 0 : i32
    %dma_start3A_63 = tpu.memref_slice %arg6[%dma_start3A_59, %dma_start3A_61, %dma_start3A_62] : memref<4x16x1024xf32, #tpu.memory_space<vmem>> -> memref<1x16x1024xf32, #tpu.memory_space<vmem>>
    %dma_start3A_64 = tpu.memref_squeeze %dma_start3A_63 : memref<1x16x1024xf32, #tpu.memory_space<vmem>> -> memref<16x1024xf32, #tpu.memory_space<vmem>>
    %dma_start3A_65 = arith.constant 0 : i32
    %dma_start3A_66 = tpu.memref_slice %arg5[%dma_start3A_58, %dma_start3A_65] : memref<4x16xi32, #tpu.memory_space<vmem>> -> memref<1x16xi32, #tpu.memory_space<vmem>>
    %dma_start3A_67 = tpu.memref_squeeze %dma_start3A_66 : memref<1x16xi32, #tpu.memory_space<vmem>> -> memref<16xi32, #tpu.memory_space<vmem>>
    %dma_start3A_68 = arith.constant 0 : i32
    %dma_start3A_69 = arith.constant 0 : i32
    %dma_start3A_70 = tpu.memref_slice %arg2[%dma_start3A_68, %dma_start3A_69] : memref<100000x1024xf32, #tpu.memory_space<hbm>> -> memref<100000x1024xf32, #tpu.memory_space<hbm>>
    %dma_start3A_71 = tpu.memref_slice %arg7[%dma_start3A_60] : memref<4x!tpu.dma_semaphore, #tpu.memory_space<semaphore_mem>> -> memref<1x!tpu.dma_semaphore, #tpu.memory_space<semaphore_mem>>
    %dma_start3A_72 = tpu.memref_squeeze %dma_start3A_71 : memref<1x!tpu.dma_semaphore, #tpu.memory_space<semaphore_mem>> -> memref<!tpu.dma_semaphore, #tpu.memory_space<semaphore_mem>>
    tpu.enqueue_indirect_dma source(%dma_start3A_70 : memref<100000x1024xf32, #tpu.memory_space<hbm>>) target(%dma_start3A_64 : memref<16x1024xf32, #tpu.memory_space<vmem>>) offsets(%dma_start3A_67 : memref<16xi32, #tpu.memory_space<vmem>>) semaphore(%dma_start3A_72 : memref<!tpu.dma_semaphore, #tpu.memory_space<semaphore_mem>>)
    %scan3A = arith.constant 0 : i32
    %scan3A_73 = arith.constant 25 : i32
    %scan3A_74 = arith.addi %scan3A, %scan3A_73 : i32
    %scan3A_75 = arith.constant 1 : i32
    scf.for %scan3A_140 = %scan3A to %scan3A_74 step %scan3A_75  : i32 {
      %mul3A_141 = arith.constant 4 : i32
      %mul3A_142 = arith.muli %scan3A_140, %mul3A_141 : i32
      %add3A_143 = arith.constant 0 : i32
      %add3A_144 = arith.addi %mul3A_142, %add3A_143 : i32
      %dma_wait3A_145 = arith.constant 0 : i32
      %dma_wait3A_146 = arith.constant 0 : i32
      %dma_wait3A_147 = arith.constant 0 : i32
      %dma_wait3A_148 = arith.constant 0 : i32
      %dma_wait3A_149 = arith.constant 0 : i32
      %dma_wait3A_150 = tpu.memref_slice %arg6[%dma_wait3A_146, %dma_wait3A_148, %dma_wait3A_149] : memref<4x16x1024xf32, #tpu.memory_space<vmem>> -> memref<1x16x1024xf32, #tpu.memory_space<vmem>>
      %dma_wait3A_151 = tpu.memref_squeeze %dma_wait3A_150 : memref<1x16x1024xf32, #tpu.memory_space<vmem>> -> memref<16x1024xf32, #tpu.memory_space<vmem>>
      %dma_wait3A_152 = arith.constant 0 : i32
      %dma_wait3A_153 = tpu.memref_slice %arg5[%dma_wait3A_145, %dma_wait3A_152] : memref<4x16xi32, #tpu.memory_space<vmem>> -> memref<1x16xi32, #tpu.memory_space<vmem>>
      %dma_wait3A_154 = tpu.memref_squeeze %dma_wait3A_153 : memref<1x16xi32, #tpu.memory_space<vmem>> -> memref<16xi32, #tpu.memory_space<vmem>>
      %dma_wait3A_155 = arith.constant 0 : i32
      %dma_wait3A_156 = arith.constant 0 : i32
      %dma_wait3A_157 = tpu.memref_slice %arg2[%dma_wait3A_155, %dma_wait3A_156] : memref<100000x1024xf32, #tpu.memory_space<hbm>> -> memref<100000x1024xf32, #tpu.memory_space<hbm>>
      %dma_wait3A_158 = tpu.memref_slice %arg7[%dma_wait3A_147] : memref<4x!tpu.dma_semaphore, #tpu.memory_space<semaphore_mem>> -> memref<1x!tpu.dma_semaphore, #tpu.memory_space<semaphore_mem>>
      %dma_wait3A_159 = tpu.memref_squeeze %dma_wait3A_158 : memref<1x!tpu.dma_semaphore, #tpu.memory_space<semaphore_mem>> -> memref<!tpu.dma_semaphore, #tpu.memory_space<semaphore_mem>>
      tpu.wait_indirect_dma semaphore(%dma_wait3A_159 : memref<!tpu.dma_semaphore, #tpu.memory_space<semaphore_mem>>) src(%dma_wait3A_157 : memref<100000x1024xf32, #tpu.memory_space<hbm>>) dst(%dma_wait3A_151 : memref<16x1024xf32, #tpu.memory_space<vmem>>)
      %mul3A_160 = arith.constant 16 : i32
      %mul3A_161 = arith.muli %add3A_144, %mul3A_160 : i32
      %add3A_162 = arith.addi %mul3A_2, %mul3A_161 : i32
      %dma_start3A_163 = arith.constant 0 : i32
      %dma_start3A_164 = arith.constant 0 : i32
      %dma_start3A_165 = arith.constant 0 : i32
      %dma_start3A_166 = arith.constant 0 : i32
      %dma_start3A_167 = tpu.memref_slice %arg6[%dma_start3A_163, %dma_start3A_165, %dma_start3A_166] : memref<4x16x1024xf32, #tpu.memory_space<vmem>> -> memref<1x16x1024xf32, #tpu.memory_space<vmem>>
      %dma_start3A_168 = tpu.memref_squeeze %dma_start3A_167 : memref<1x16x1024xf32, #tpu.memory_space<vmem>> -> memref<16x1024xf32, #tpu.memory_space<vmem>>
      %dma_start3A_169 = arith.constant 0 : i32
      %dma_start3A_170 = tpu.memref_slice %arg4[%add3A_162, %dma_start3A_169] : memref<51200x1024xf32, #tpu.memory_space<hbm>> -> memref<16x1024xf32, #tpu.memory_space<hbm>>
      %dma_start3A_171 = tpu.memref_slice %arg8[%dma_start3A_164] : memref<4x!tpu.dma_semaphore, #tpu.memory_space<semaphore_mem>> -> memref<1x!tpu.dma_semaphore, #tpu.memory_space<semaphore_mem>>
      %dma_start3A_172 = tpu.memref_squeeze %dma_start3A_171 : memref<1x!tpu.dma_semaphore, #tpu.memory_space<semaphore_mem>> -> memref<!tpu.dma_semaphore, #tpu.memory_space<semaphore_mem>>
      %dma_start3A_173 = arith.constant 0 : i32
      %dma_start3A_174 = tpu.memref_slice %arg4[%add3A_162, %dma_start3A_173] : memref<51200x1024xf32, #tpu.memory_space<hbm>> -> memref<16x1024xf32, #tpu.memory_space<hbm>>
      %dma_start3A_175 = arith.constant 0 : i32
      %dma_start3A_176 = arith.constant 0 : i32
      %dma_start3A_177 = tpu.memref_slice %arg6[%dma_start3A_163, %dma_start3A_175, %dma_start3A_176] : memref<4x16x1024xf32, #tpu.memory_space<vmem>> -> memref<1x16x1024xf32, #tpu.memory_space<vmem>>
      %dma_start3A_178 = tpu.memref_squeeze %dma_start3A_177 : memref<1x16x1024xf32, #tpu.memory_space<vmem>> -> memref<16x1024xf32, #tpu.memory_space<vmem>>
      tpu.enqueue_dma source(%dma_start3A_178 : memref<16x1024xf32, #tpu.memory_space<vmem>>) target(%dma_start3A_174 : memref<16x1024xf32, #tpu.memory_space<hbm>>) target_semaphore(%dma_start3A_172 : memref<!tpu.dma_semaphore, #tpu.memory_space<semaphore_mem>>)
      %add3A_179 = arith.constant 4 : i32
      %add3A_180 = arith.addi %add3A_144, %add3A_179 : i32
      %lt3A = arith.constant 100 : i32
      %lt3A_181 = arith.cmpi slt, %add3A_180, %lt3A : i32
      %convert_element_type3A = arith.extui %lt3A_181 : i1 to i32
      %cond3A = arith.constant 0 : i32
      %cond3A_182 = arith.cmpi ne, %convert_element_type3A, %cond3A : i32
      scf.if %cond3A_182 {
        %dma_wait3A_312 = arith.constant 0 : i32
        %dma_wait3A_313 = arith.constant 0 : i32
        %dma_wait3A_314 = arith.constant 0 : i32
        %dma_wait3A_315 = arith.constant 0 : i32
        %dma_wait3A_316 = tpu.memref_slice %arg6[%dma_wait3A_312, %dma_wait3A_314, %dma_wait3A_315] : memref<4x16x1024xf32, #tpu.memory_space<vmem>> -> memref<1x16x1024xf32, #tpu.memory_space<vmem>>
        %dma_wait3A_317 = tpu.memref_squeeze %dma_wait3A_316 : memref<1x16x1024xf32, #tpu.memory_space<vmem>> -> memref<16x1024xf32, #tpu.memory_space<vmem>>
        %dma_wait3A_318 = arith.constant 0 : i32
        %dma_wait3A_319 = tpu.memref_slice %arg4[%mul3A_2, %dma_wait3A_318] : memref<51200x1024xf32, #tpu.memory_space<hbm>> -> memref<16x1024xf32, #tpu.memory_space<hbm>>
        %dma_wait3A_320 = tpu.memref_slice %arg8[%dma_wait3A_313] : memref<4x!tpu.dma_semaphore, #tpu.memory_space<semaphore_mem>> -> memref<1x!tpu.dma_semaphore, #tpu.memory_space<semaphore_mem>>
        %dma_wait3A_321 = tpu.memref_squeeze %dma_wait3A_320 : memref<1x!tpu.dma_semaphore, #tpu.memory_space<semaphore_mem>> -> memref<!tpu.dma_semaphore, #tpu.memory_space<semaphore_mem>>
        %dma_wait3A_322 = arith.constant 0 : i32
        %dma_wait3A_323 = tpu.memref_slice %arg4[%mul3A_2, %dma_wait3A_322] : memref<51200x1024xf32, #tpu.memory_space<hbm>> -> memref<16x1024xf32, #tpu.memory_space<hbm>>
        %dma_wait3A_324 = arith.constant 0 : i32
        %dma_wait3A_325 = arith.constant 0 : i32
        %dma_wait3A_326 = tpu.memref_slice %arg6[%dma_wait3A_312, %dma_wait3A_324, %dma_wait3A_325] : memref<4x16x1024xf32, #tpu.memory_space<vmem>> -> memref<1x16x1024xf32, #tpu.memory_space<vmem>>
        %dma_wait3A_327 = tpu.memref_squeeze %dma_wait3A_326 : memref<1x16x1024xf32, #tpu.memory_space<vmem>> -> memref<16x1024xf32, #tpu.memory_space<vmem>>
        tpu.wait_dma2 semaphore(%dma_wait3A_321 : memref<!tpu.dma_semaphore, #tpu.memory_space<semaphore_mem>>) src(%dma_wait3A_327 : memref<16x1024xf32, #tpu.memory_space<vmem>>) dst(%dma_wait3A_323 : memref<16x1024xf32, #tpu.memory_space<hbm>>)
        %add3A_328 = arith.constant 4 : i32
        %add3A_329 = arith.addi %add3A_144, %add3A_328 : i32
        %mul3A_330 = arith.constant 16 : i32
        %mul3A_331 = arith.muli %add3A_329, %mul3A_330 : i32
        %add3A_332 = arith.addi %mul3A_2, %mul3A_331 : i32
        %run_scoped3A_333 = arith.constant 0 : i32
        "tpu.region"() ({
          %run_scoped3A_349 = tpu.sem_alloc : memref<!tpu.dma_semaphore, #tpu.memory_space<semaphore_mem>>
          %dma_start3A_350 = arith.constant 0 : i32
          %dma_start3A_351 = tpu.memref_slice %arg5[%run_scoped3A_333, %dma_start3A_350] : memref<4x16xi32, #tpu.memory_space<vmem>> -> memref<1x16xi32, #tpu.memory_space<vmem>>
          %dma_start3A_352 = tpu.memref_squeeze %dma_start3A_351 : memref<1x16xi32, #tpu.memory_space<vmem>> -> memref<16xi32, #tpu.memory_space<vmem>>
          %dma_start3A_353 = tpu.memref_slice %arg3[%add3A_332] : memref<51200xi32, #tpu.memory_space<hbm>> -> memref<16xi32, #tpu.memory_space<hbm>>
          %dma_start3A_354 = arith.constant 0 : i32
          %dma_start3A_355 = tpu.memref_slice %arg5[%run_scoped3A_333, %dma_start3A_354] : memref<4x16xi32, #tpu.memory_space<vmem>> -> memref<1x16xi32, #tpu.memory_space<vmem>>
          %dma_start3A_356 = tpu.memref_squeeze %dma_start3A_355 : memref<1x16xi32, #tpu.memory_space<vmem>> -> memref<16xi32, #tpu.memory_space<vmem>>
          %dma_start3A_357 = tpu.memref_slice %arg3[%add3A_332] : memref<51200xi32, #tpu.memory_space<hbm>> -> memref<16xi32, #tpu.memory_space<hbm>>
          tpu.enqueue_dma source(%dma_start3A_357 : memref<16xi32, #tpu.memory_space<hbm>>) target(%dma_start3A_356 : memref<16xi32, #tpu.memory_space<vmem>>) target_semaphore(%run_scoped3A_349 : memref<!tpu.dma_semaphore, #tpu.memory_space<semaphore_mem>>)
          %dma_wait3A_358 = arith.constant 0 : i32
          %dma_wait3A_359 = tpu.memref_slice %arg5[%run_scoped3A_333, %dma_wait3A_358] : memref<4x16xi32, #tpu.memory_space<vmem>> -> memref<1x16xi32, #tpu.memory_space<vmem>>
          %dma_wait3A_360 = tpu.memref_squeeze %dma_wait3A_359 : memref<1x16xi32, #tpu.memory_space<vmem>> -> memref<16xi32, #tpu.memory_space<vmem>>
          %dma_wait3A_361 = tpu.memref_slice %arg3[%add3A_332] : memref<51200xi32, #tpu.memory_space<hbm>> -> memref<16xi32, #tpu.memory_space<hbm>>
          %dma_wait3A_362 = arith.constant 0 : i32
          %dma_wait3A_363 = tpu.memref_slice %arg5[%run_scoped3A_333, %dma_wait3A_362] : memref<4x16xi32, #tpu.memory_space<vmem>> -> memref<1x16xi32, #tpu.memory_space<vmem>>
          %dma_wait3A_364 = tpu.memref_squeeze %dma_wait3A_363 : memref<1x16xi32, #tpu.memory_space<vmem>> -> memref<16xi32, #tpu.memory_space<vmem>>
          %dma_wait3A_365 = tpu.memref_slice %arg3[%add3A_332] : memref<51200xi32, #tpu.memory_space<hbm>> -> memref<16xi32, #tpu.memory_space<hbm>>
          tpu.wait_dma2 semaphore(%run_scoped3A_349 : memref<!tpu.dma_semaphore, #tpu.memory_space<semaphore_mem>>) src(%dma_wait3A_365 : memref<16xi32, #tpu.memory_space<hbm>>) dst(%dma_wait3A_364 : memref<16xi32, #tpu.memory_space<vmem>>)
          tpu.yield
        }) : () -> ()
        %dma_start3A_334 = arith.constant 0 : i32
        %dma_start3A_335 = arith.constant 0 : i32
        %dma_start3A_336 = arith.constant 0 : i32
        %dma_start3A_337 = arith.constant 0 : i32
        %dma_start3A_338 = arith.constant 0 : i32
        %dma_start3A_339 = tpu.memref_slice %arg6[%dma_start3A_335, %dma_start3A_337, %dma_start3A_338] : memref<4x16x1024xf32, #tpu.memory_space<vmem>> -> memref<1x16x1024xf32, #tpu.memory_space<vmem>>
        %dma_start3A_340 = tpu.memref_squeeze %dma_start3A_339 : memref<1x16x1024xf32, #tpu.memory_space<vmem>> -> memref<16x1024xf32, #tpu.memory_space<vmem>>
        %dma_start3A_341 = arith.constant 0 : i32
        %dma_start3A_342 = tpu.memref_slice %arg5[%dma_start3A_334, %dma_start3A_341] : memref<4x16xi32, #tpu.memory_space<vmem>> -> memref<1x16xi32, #tpu.memory_space<vmem>>
        %dma_start3A_343 = tpu.memref_squeeze %dma_start3A_342 : memref<1x16xi32, #tpu.memory_space<vmem>> -> memref<16xi32, #tpu.memory_space<vmem>>
        %dma_start3A_344 = arith.constant 0 : i32
        %dma_start3A_345 = arith.constant 0 : i32
        %dma_start3A_346 = tpu.memref_slice %arg2[%dma_start3A_344, %dma_start3A_345] : memref<100000x1024xf32, #tpu.memory_space<hbm>> -> memref<100000x1024xf32, #tpu.memory_space<hbm>>
        %dma_start3A_347 = tpu.memref_slice %arg7[%dma_start3A_336] : memref<4x!tpu.dma_semaphore, #tpu.memory_space<semaphore_mem>> -> memref<1x!tpu.dma_semaphore, #tpu.memory_space<semaphore_mem>>
        %dma_start3A_348 = tpu.memref_squeeze %dma_start3A_347 : memref<1x!tpu.dma_semaphore, #tpu.memory_space<semaphore_mem>> -> memref<!tpu.dma_semaphore, #tpu.memory_space<semaphore_mem>>
        tpu.enqueue_indirect_dma source(%dma_start3A_346 : memref<100000x1024xf32, #tpu.memory_space<hbm>>) target(%dma_start3A_340 : memref<16x1024xf32, #tpu.memory_space<vmem>>) offsets(%dma_start3A_343 : memref<16xi32, #tpu.memory_space<vmem>>) semaphore(%dma_start3A_348 : memref<!tpu.dma_semaphore, #tpu.memory_space<semaphore_mem>>)
      } else {
      }
      %add3A_183 = arith.constant 1 : i32
      %add3A_184 = arith.addi %mul3A_142, %add3A_183 : i32
      %dma_wait3A_185 = arith.constant 1 : i32
      %dma_wait3A_186 = arith.constant 1 : i32
      %dma_wait3A_187 = arith.constant 1 : i32
      %dma_wait3A_188 = arith.constant 0 : i32
      %dma_wait3A_189 = arith.constant 0 : i32
      %dma_wait3A_190 = tpu.memref_slice %arg6[%dma_wait3A_186, %dma_wait3A_188, %dma_wait3A_189] : memref<4x16x1024xf32, #tpu.memory_space<vmem>> -> memref<1x16x1024xf32, #tpu.memory_space<vmem>>
      %dma_wait3A_191 = tpu.memref_squeeze %dma_wait3A_190 : memref<1x16x1024xf32, #tpu.memory_space<vmem>> -> memref<16x1024xf32, #tpu.memory_space<vmem>>
      %dma_wait3A_192 = arith.constant 0 : i32
      %dma_wait3A_193 = tpu.memref_slice %arg5[%dma_wait3A_185, %dma_wait3A_192] : memref<4x16xi32, #tpu.memory_space<vmem>> -> memref<1x16xi32, #tpu.memory_space<vmem>>
      %dma_wait3A_194 = tpu.memref_squeeze %dma_wait3A_193 : memref<1x16xi32, #tpu.memory_space<vmem>> -> memref<16xi32, #tpu.memory_space<vmem>>
      %dma_wait3A_195 = arith.constant 0 : i32
      %dma_wait3A_196 = arith.constant 0 : i32
      %dma_wait3A_197 = tpu.memref_slice %arg2[%dma_wait3A_195, %dma_wait3A_196] : memref<100000x1024xf32, #tpu.memory_space<hbm>> -> memref<100000x1024xf32, #tpu.memory_space<hbm>>
      %dma_wait3A_198 = tpu.memref_slice %arg7[%dma_wait3A_187] : memref<4x!tpu.dma_semaphore, #tpu.memory_space<semaphore_mem>> -> memref<1x!tpu.dma_semaphore, #tpu.memory_space<semaphore_mem>>
      %dma_wait3A_199 = tpu.memref_squeeze %dma_wait3A_198 : memref<1x!tpu.dma_semaphore, #tpu.memory_space<semaphore_mem>> -> memref<!tpu.dma_semaphore, #tpu.memory_space<semaphore_mem>>
      tpu.wait_indirect_dma semaphore(%dma_wait3A_199 : memref<!tpu.dma_semaphore, #tpu.memory_space<semaphore_mem>>) src(%dma_wait3A_197 : memref<100000x1024xf32, #tpu.memory_space<hbm>>) dst(%dma_wait3A_191 : memref<16x1024xf32, #tpu.memory_space<vmem>>)
      %mul3A_200 = arith.constant 16 : i32
      %mul3A_201 = arith.muli %add3A_184, %mul3A_200 : i32
      %add3A_202 = arith.addi %mul3A_2, %mul3A_201 : i32
      %dma_start3A_203 = arith.constant 1 : i32
      %dma_start3A_204 = arith.constant 1 : i32
      %dma_start3A_205 = arith.constant 0 : i32
      %dma_start3A_206 = arith.constant 0 : i32
      %dma_start3A_207 = tpu.memref_slice %arg6[%dma_start3A_203, %dma_start3A_205, %dma_start3A_206] : memref<4x16x1024xf32, #tpu.memory_space<vmem>> -> memref<1x16x1024xf32, #tpu.memory_space<vmem>>
      %dma_start3A_208 = tpu.memref_squeeze %dma_start3A_207 : memref<1x16x1024xf32, #tpu.memory_space<vmem>> -> memref<16x1024xf32, #tpu.memory_space<vmem>>
      %dma_start3A_209 = arith.constant 0 : i32
      %dma_start3A_210 = tpu.memref_slice %arg4[%add3A_202, %dma_start3A_209] : memref<51200x1024xf32, #tpu.memory_space<hbm>> -> memref<16x1024xf32, #tpu.memory_space<hbm>>
      %dma_start3A_211 = tpu.memref_slice %arg8[%dma_start3A_204] : memref<4x!tpu.dma_semaphore, #tpu.memory_space<semaphore_mem>> -> memref<1x!tpu.dma_semaphore, #tpu.memory_space<semaphore_mem>>
      %dma_start3A_212 = tpu.memref_squeeze %dma_start3A_211 : memref<1x!tpu.dma_semaphore, #tpu.memory_space<semaphore_mem>> -> memref<!tpu.dma_semaphore, #tpu.memory_space<semaphore_mem>>
      %dma_start3A_213 = arith.constant 0 : i32
      %dma_start3A_214 = tpu.memref_slice %arg4[%add3A_202, %dma_start3A_213] : memref<51200x1024xf32, #tpu.memory_space<hbm>> -> memref<16x1024xf32, #tpu.memory_space<hbm>>
      %dma_start3A_215 = arith.constant 0 : i32
      %dma_start3A_216 = arith.constant 0 : i32
      %dma_start3A_217 = tpu.memref_slice %arg6[%dma_start3A_203, %dma_start3A_215, %dma_start3A_216] : memref<4x16x1024xf32, #tpu.memory_space<vmem>> -> memref<1x16x1024xf32, #tpu.memory_space<vmem>>
      %dma_start3A_218 = tpu.memref_squeeze %dma_start3A_217 : memref<1x16x1024xf32, #tpu.memory_space<vmem>> -> memref<16x1024xf32, #tpu.memory_space<vmem>>
      tpu.enqueue_dma source(%dma_start3A_218 : memref<16x1024xf32, #tpu.memory_space<vmem>>) target(%dma_start3A_214 : memref<16x1024xf32, #tpu.memory_space<hbm>>) target_semaphore(%dma_start3A_212 : memref<!tpu.dma_semaphore, #tpu.memory_space<semaphore_mem>>)
      %add3A_219 = arith.constant 4 : i32
      %add3A_220 = arith.addi %add3A_184, %add3A_219 : i32
      %lt3A_221 = arith.constant 100 : i32
      %lt3A_222 = arith.cmpi slt, %add3A_220, %lt3A_221 : i32
      %convert_element_type3A_223 = arith.extui %lt3A_222 : i1 to i32
      %cond3A_224 = arith.constant 0 : i32
      %cond3A_225 = arith.cmpi ne, %convert_element_type3A_223, %cond3A_224 : i32
      scf.if %cond3A_225 {
        %dma_wait3A_312 = arith.constant 1 : i32
        %dma_wait3A_313 = arith.constant 1 : i32
        %dma_wait3A_314 = arith.constant 0 : i32
        %dma_wait3A_315 = arith.constant 0 : i32
        %dma_wait3A_316 = tpu.memref_slice %arg6[%dma_wait3A_312, %dma_wait3A_314, %dma_wait3A_315] : memref<4x16x1024xf32, #tpu.memory_space<vmem>> -> memref<1x16x1024xf32, #tpu.memory_space<vmem>>
        %dma_wait3A_317 = tpu.memref_squeeze %dma_wait3A_316 : memref<1x16x1024xf32, #tpu.memory_space<vmem>> -> memref<16x1024xf32, #tpu.memory_space<vmem>>
        %dma_wait3A_318 = arith.constant 0 : i32
        %dma_wait3A_319 = tpu.memref_slice %arg4[%mul3A_2, %dma_wait3A_318] : memref<51200x1024xf32, #tpu.memory_space<hbm>> -> memref<16x1024xf32, #tpu.memory_space<hbm>>
        %dma_wait3A_320 = tpu.memref_slice %arg8[%dma_wait3A_313] : memref<4x!tpu.dma_semaphore, #tpu.memory_space<semaphore_mem>> -> memref<1x!tpu.dma_semaphore, #tpu.memory_space<semaphore_mem>>
        %dma_wait3A_321 = tpu.memref_squeeze %dma_wait3A_320 : memref<1x!tpu.dma_semaphore, #tpu.memory_space<semaphore_mem>> -> memref<!tpu.dma_semaphore, #tpu.memory_space<semaphore_mem>>
        %dma_wait3A_322 = arith.constant 0 : i32
        %dma_wait3A_323 = tpu.memref_slice %arg4[%mul3A_2, %dma_wait3A_322] : memref<51200x1024xf32, #tpu.memory_space<hbm>> -> memref<16x1024xf32, #tpu.memory_space<hbm>>
        %dma_wait3A_324 = arith.constant 0 : i32
        %dma_wait3A_325 = arith.constant 0 : i32
        %dma_wait3A_326 = tpu.memref_slice %arg6[%dma_wait3A_312, %dma_wait3A_324, %dma_wait3A_325] : memref<4x16x1024xf32, #tpu.memory_space<vmem>> -> memref<1x16x1024xf32, #tpu.memory_space<vmem>>
        %dma_wait3A_327 = tpu.memref_squeeze %dma_wait3A_326 : memref<1x16x1024xf32, #tpu.memory_space<vmem>> -> memref<16x1024xf32, #tpu.memory_space<vmem>>
        tpu.wait_dma2 semaphore(%dma_wait3A_321 : memref<!tpu.dma_semaphore, #tpu.memory_space<semaphore_mem>>) src(%dma_wait3A_327 : memref<16x1024xf32, #tpu.memory_space<vmem>>) dst(%dma_wait3A_323 : memref<16x1024xf32, #tpu.memory_space<hbm>>)
        %add3A_328 = arith.constant 4 : i32
        %add3A_329 = arith.addi %add3A_184, %add3A_328 : i32
        %mul3A_330 = arith.constant 16 : i32
        %mul3A_331 = arith.muli %add3A_329, %mul3A_330 : i32
        %add3A_332 = arith.addi %mul3A_2, %mul3A_331 : i32
        %run_scoped3A_333 = arith.constant 1 : i32
        "tpu.region"() ({
          %run_scoped3A_349 = tpu.sem_alloc : memref<!tpu.dma_semaphore, #tpu.memory_space<semaphore_mem>>
          %dma_start3A_350 = arith.constant 0 : i32
          %dma_start3A_351 = tpu.memref_slice %arg5[%run_scoped3A_333, %dma_start3A_350] : memref<4x16xi32, #tpu.memory_space<vmem>> -> memref<1x16xi32, #tpu.memory_space<vmem>>
          %dma_start3A_352 = tpu.memref_squeeze %dma_start3A_351 : memref<1x16xi32, #tpu.memory_space<vmem>> -> memref<16xi32, #tpu.memory_space<vmem>>
          %dma_start3A_353 = tpu.memref_slice %arg3[%add3A_332] : memref<51200xi32, #tpu.memory_space<hbm>> -> memref<16xi32, #tpu.memory_space<hbm>>
          %dma_start3A_354 = arith.constant 0 : i32
          %dma_start3A_355 = tpu.memref_slice %arg5[%run_scoped3A_333, %dma_start3A_354] : memref<4x16xi32, #tpu.memory_space<vmem>> -> memref<1x16xi32, #tpu.memory_space<vmem>>
          %dma_start3A_356 = tpu.memref_squeeze %dma_start3A_355 : memref<1x16xi32, #tpu.memory_space<vmem>> -> memref<16xi32, #tpu.memory_space<vmem>>
          %dma_start3A_357 = tpu.memref_slice %arg3[%add3A_332] : memref<51200xi32, #tpu.memory_space<hbm>> -> memref<16xi32, #tpu.memory_space<hbm>>
          tpu.enqueue_dma source(%dma_start3A_357 : memref<16xi32, #tpu.memory_space<hbm>>) target(%dma_start3A_356 : memref<16xi32, #tpu.memory_space<vmem>>) target_semaphore(%run_scoped3A_349 : memref<!tpu.dma_semaphore, #tpu.memory_space<semaphore_mem>>)
          %dma_wait3A_358 = arith.constant 0 : i32
          %dma_wait3A_359 = tpu.memref_slice %arg5[%run_scoped3A_333, %dma_wait3A_358] : memref<4x16xi32, #tpu.memory_space<vmem>> -> memref<1x16xi32, #tpu.memory_space<vmem>>
          %dma_wait3A_360 = tpu.memref_squeeze %dma_wait3A_359 : memref<1x16xi32, #tpu.memory_space<vmem>> -> memref<16xi32, #tpu.memory_space<vmem>>
          %dma_wait3A_361 = tpu.memref_slice %arg3[%add3A_332] : memref<51200xi32, #tpu.memory_space<hbm>> -> memref<16xi32, #tpu.memory_space<hbm>>
          %dma_wait3A_362 = arith.constant 0 : i32
          %dma_wait3A_363 = tpu.memref_slice %arg5[%run_scoped3A_333, %dma_wait3A_362] : memref<4x16xi32, #tpu.memory_space<vmem>> -> memref<1x16xi32, #tpu.memory_space<vmem>>
          %dma_wait3A_364 = tpu.memref_squeeze %dma_wait3A_363 : memref<1x16xi32, #tpu.memory_space<vmem>> -> memref<16xi32, #tpu.memory_space<vmem>>
          %dma_wait3A_365 = tpu.memref_slice %arg3[%add3A_332] : memref<51200xi32, #tpu.memory_space<hbm>> -> memref<16xi32, #tpu.memory_space<hbm>>
          tpu.wait_dma2 semaphore(%run_scoped3A_349 : memref<!tpu.dma_semaphore, #tpu.memory_space<semaphore_mem>>) src(%dma_wait3A_365 : memref<16xi32, #tpu.memory_space<hbm>>) dst(%dma_wait3A_364 : memref<16xi32, #tpu.memory_space<vmem>>)
          tpu.yield
        }) : () -> ()
        %dma_start3A_334 = arith.constant 1 : i32
        %dma_start3A_335 = arith.constant 1 : i32
        %dma_start3A_336 = arith.constant 1 : i32
        %dma_start3A_337 = arith.constant 0 : i32
        %dma_start3A_338 = arith.constant 0 : i32
        %dma_start3A_339 = tpu.memref_slice %arg6[%dma_start3A_335, %dma_start3A_337, %dma_start3A_338] : memref<4x16x1024xf32, #tpu.memory_space<vmem>> -> memref<1x16x1024xf32, #tpu.memory_space<vmem>>
        %dma_start3A_340 = tpu.memref_squeeze %dma_start3A_339 : memref<1x16x1024xf32, #tpu.memory_space<vmem>> -> memref<16x1024xf32, #tpu.memory_space<vmem>>
        %dma_start3A_341 = arith.constant 0 : i32
        %dma_start3A_342 = tpu.memref_slice %arg5[%dma_start3A_334, %dma_start3A_341] : memref<4x16xi32, #tpu.memory_space<vmem>> -> memref<1x16xi32, #tpu.memory_space<vmem>>
        %dma_start3A_343 = tpu.memref_squeeze %dma_start3A_342 : memref<1x16xi32, #tpu.memory_space<vmem>> -> memref<16xi32, #tpu.memory_space<vmem>>
        %dma_start3A_344 = arith.constant 0 : i32
        %dma_start3A_345 = arith.constant 0 : i32
        %dma_start3A_346 = tpu.memref_slice %arg2[%dma_start3A_344, %dma_start3A_345] : memref<100000x1024xf32, #tpu.memory_space<hbm>> -> memref<100000x1024xf32, #tpu.memory_space<hbm>>
        %dma_start3A_347 = tpu.memref_slice %arg7[%dma_start3A_336] : memref<4x!tpu.dma_semaphore, #tpu.memory_space<semaphore_mem>> -> memref<1x!tpu.dma_semaphore, #tpu.memory_space<semaphore_mem>>
        %dma_start3A_348 = tpu.memref_squeeze %dma_start3A_347 : memref<1x!tpu.dma_semaphore, #tpu.memory_space<semaphore_mem>> -> memref<!tpu.dma_semaphore, #tpu.memory_space<semaphore_mem>>
        tpu.enqueue_indirect_dma source(%dma_start3A_346 : memref<100000x1024xf32, #tpu.memory_space<hbm>>) target(%dma_start3A_340 : memref<16x1024xf32, #tpu.memory_space<vmem>>) offsets(%dma_start3A_343 : memref<16xi32, #tpu.memory_space<vmem>>) semaphore(%dma_start3A_348 : memref<!tpu.dma_semaphore, #tpu.memory_space<semaphore_mem>>)
      } else {
      }
      %add3A_226 = arith.constant 2 : i32
      %add3A_227 = arith.addi %mul3A_142, %add3A_226 : i32
      %dma_wait3A_228 = arith.constant 2 : i32
      %dma_wait3A_229 = arith.constant 2 : i32
      %dma_wait3A_230 = arith.constant 2 : i32
      %dma_wait3A_231 = arith.constant 0 : i32
      %dma_wait3A_232 = arith.constant 0 : i32
      %dma_wait3A_233 = tpu.memref_slice %arg6[%dma_wait3A_229, %dma_wait3A_231, %dma_wait3A_232] : memref<4x16x1024xf32, #tpu.memory_space<vmem>> -> memref<1x16x1024xf32, #tpu.memory_space<vmem>>
      %dma_wait3A_234 = tpu.memref_squeeze %dma_wait3A_233 : memref<1x16x1024xf32, #tpu.memory_space<vmem>> -> memref<16x1024xf32, #tpu.memory_space<vmem>>
      %dma_wait3A_235 = arith.constant 0 : i32
      %dma_wait3A_236 = tpu.memref_slice %arg5[%dma_wait3A_228, %dma_wait3A_235] : memref<4x16xi32, #tpu.memory_space<vmem>> -> memref<1x16xi32, #tpu.memory_space<vmem>>
      %dma_wait3A_237 = tpu.memref_squeeze %dma_wait3A_236 : memref<1x16xi32, #tpu.memory_space<vmem>> -> memref<16xi32, #tpu.memory_space<vmem>>
      %dma_wait3A_238 = arith.constant 0 : i32
      %dma_wait3A_239 = arith.constant 0 : i32
      %dma_wait3A_240 = tpu.memref_slice %arg2[%dma_wait3A_238, %dma_wait3A_239] : memref<100000x1024xf32, #tpu.memory_space<hbm>> -> memref<100000x1024xf32, #tpu.memory_space<hbm>>
      %dma_wait3A_241 = tpu.memref_slice %arg7[%dma_wait3A_230] : memref<4x!tpu.dma_semaphore, #tpu.memory_space<semaphore_mem>> -> memref<1x!tpu.dma_semaphore, #tpu.memory_space<semaphore_mem>>
      %dma_wait3A_242 = tpu.memref_squeeze %dma_wait3A_241 : memref<1x!tpu.dma_semaphore, #tpu.memory_space<semaphore_mem>> -> memref<!tpu.dma_semaphore, #tpu.memory_space<semaphore_mem>>
      tpu.wait_indirect_dma semaphore(%dma_wait3A_242 : memref<!tpu.dma_semaphore, #tpu.memory_space<semaphore_mem>>) src(%dma_wait3A_240 : memref<100000x1024xf32, #tpu.memory_space<hbm>>) dst(%dma_wait3A_234 : memref<16x1024xf32, #tpu.memory_space<vmem>>)
      %mul3A_243 = arith.constant 16 : i32
      %mul3A_244 = arith.muli %add3A_227, %mul3A_243 : i32
      %add3A_245 = arith.addi %mul3A_2, %mul3A_244 : i32
      %dma_start3A_246 = arith.constant 2 : i32
      %dma_start3A_247 = arith.constant 2 : i32
      %dma_start3A_248 = arith.constant 0 : i32
      %dma_start3A_249 = arith.constant 0 : i32
      %dma_start3A_250 = tpu.memref_slice %arg6[%dma_start3A_246, %dma_start3A_248, %dma_start3A_249] : memref<4x16x1024xf32, #tpu.memory_space<vmem>> -> memref<1x16x1024xf32, #tpu.memory_space<vmem>>
      %dma_start3A_251 = tpu.memref_squeeze %dma_start3A_250 : memref<1x16x1024xf32, #tpu.memory_space<vmem>> -> memref<16x1024xf32, #tpu.memory_space<vmem>>
      %dma_start3A_252 = arith.constant 0 : i32
      %dma_start3A_253 = tpu.memref_slice %arg4[%add3A_245, %dma_start3A_252] : memref<51200x1024xf32, #tpu.memory_space<hbm>> -> memref<16x1024xf32, #tpu.memory_space<hbm>>
      %dma_start3A_254 = tpu.memref_slice %arg8[%dma_start3A_247] : memref<4x!tpu.dma_semaphore, #tpu.memory_space<semaphore_mem>> -> memref<1x!tpu.dma_semaphore, #tpu.memory_space<semaphore_mem>>
      %dma_start3A_255 = tpu.memref_squeeze %dma_start3A_254 : memref<1x!tpu.dma_semaphore, #tpu.memory_space<semaphore_mem>> -> memref<!tpu.dma_semaphore, #tpu.memory_space<semaphore_mem>>
      %dma_start3A_256 = arith.constant 0 : i32
      %dma_start3A_257 = tpu.memref_slice %arg4[%add3A_245, %dma_start3A_256] : memref<51200x1024xf32, #tpu.memory_space<hbm>> -> memref<16x1024xf32, #tpu.memory_space<hbm>>
      %dma_start3A_258 = arith.constant 0 : i32
      %dma_start3A_259 = arith.constant 0 : i32
      %dma_start3A_260 = tpu.memref_slice %arg6[%dma_start3A_246, %dma_start3A_258, %dma_start3A_259] : memref<4x16x1024xf32, #tpu.memory_space<vmem>> -> memref<1x16x1024xf32, #tpu.memory_space<vmem>>
      %dma_start3A_261 = tpu.memref_squeeze %dma_start3A_260 : memref<1x16x1024xf32, #tpu.memory_space<vmem>> -> memref<16x1024xf32, #tpu.memory_space<vmem>>
      tpu.enqueue_dma source(%dma_start3A_261 : memref<16x1024xf32, #tpu.memory_space<vmem>>) target(%dma_start3A_257 : memref<16x1024xf32, #tpu.memory_space<hbm>>) target_semaphore(%dma_start3A_255 : memref<!tpu.dma_semaphore, #tpu.memory_space<semaphore_mem>>)
      %add3A_262 = arith.constant 4 : i32
      %add3A_263 = arith.addi %add3A_227, %add3A_262 : i32
      %lt3A_264 = arith.constant 100 : i32
      %lt3A_265 = arith.cmpi slt, %add3A_263, %lt3A_264 : i32
      %convert_element_type3A_266 = arith.extui %lt3A_265 : i1 to i32
      %cond3A_267 = arith.constant 0 : i32
      %cond3A_268 = arith.cmpi ne, %convert_element_type3A_266, %cond3A_267 : i32
      scf.if %cond3A_268 {
        %dma_wait3A_312 = arith.constant 2 : i32
        %dma_wait3A_313 = arith.constant 2 : i32
        %dma_wait3A_314 = arith.constant 0 : i32
        %dma_wait3A_315 = arith.constant 0 : i32
        %dma_wait3A_316 = tpu.memref_slice %arg6[%dma_wait3A_312, %dma_wait3A_314, %dma_wait3A_315] : memref<4x16x1024xf32, #tpu.memory_space<vmem>> -> memref<1x16x1024xf32, #tpu.memory_space<vmem>>
        %dma_wait3A_317 = tpu.memref_squeeze %dma_wait3A_316 : memref<1x16x1024xf32, #tpu.memory_space<vmem>> -> memref<16x1024xf32, #tpu.memory_space<vmem>>
        %dma_wait3A_318 = arith.constant 0 : i32
        %dma_wait3A_319 = tpu.memref_slice %arg4[%mul3A_2, %dma_wait3A_318] : memref<51200x1024xf32, #tpu.memory_space<hbm>> -> memref<16x1024xf32, #tpu.memory_space<hbm>>
        %dma_wait3A_320 = tpu.memref_slice %arg8[%dma_wait3A_313] : memref<4x!tpu.dma_semaphore, #tpu.memory_space<semaphore_mem>> -> memref<1x!tpu.dma_semaphore, #tpu.memory_space<semaphore_mem>>
        %dma_wait3A_321 = tpu.memref_squeeze %dma_wait3A_320 : memref<1x!tpu.dma_semaphore, #tpu.memory_space<semaphore_mem>> -> memref<!tpu.dma_semaphore, #tpu.memory_space<semaphore_mem>>
        %dma_wait3A_322 = arith.constant 0 : i32
        %dma_wait3A_323 = tpu.memref_slice %arg4[%mul3A_2, %dma_wait3A_322] : memref<51200x1024xf32, #tpu.memory_space<hbm>> -> memref<16x1024xf32, #tpu.memory_space<hbm>>
        %dma_wait3A_324 = arith.constant 0 : i32
        %dma_wait3A_325 = arith.constant 0 : i32
        %dma_wait3A_326 = tpu.memref_slice %arg6[%dma_wait3A_312, %dma_wait3A_324, %dma_wait3A_325] : memref<4x16x1024xf32, #tpu.memory_space<vmem>> -> memref<1x16x1024xf32, #tpu.memory_space<vmem>>
        %dma_wait3A_327 = tpu.memref_squeeze %dma_wait3A_326 : memref<1x16x1024xf32, #tpu.memory_space<vmem>> -> memref<16x1024xf32, #tpu.memory_space<vmem>>
        tpu.wait_dma2 semaphore(%dma_wait3A_321 : memref<!tpu.dma_semaphore, #tpu.memory_space<semaphore_mem>>) src(%dma_wait3A_327 : memref<16x1024xf32, #tpu.memory_space<vmem>>) dst(%dma_wait3A_323 : memref<16x1024xf32, #tpu.memory_space<hbm>>)
        %add3A_328 = arith.constant 4 : i32
        %add3A_329 = arith.addi %add3A_227, %add3A_328 : i32
        %mul3A_330 = arith.constant 16 : i32
        %mul3A_331 = arith.muli %add3A_329, %mul3A_330 : i32
        %add3A_332 = arith.addi %mul3A_2, %mul3A_331 : i32
        %run_scoped3A_333 = arith.constant 2 : i32
        "tpu.region"() ({
          %run_scoped3A_349 = tpu.sem_alloc : memref<!tpu.dma_semaphore, #tpu.memory_space<semaphore_mem>>
          %dma_start3A_350 = arith.constant 0 : i32
          %dma_start3A_351 = tpu.memref_slice %arg5[%run_scoped3A_333, %dma_start3A_350] : memref<4x16xi32, #tpu.memory_space<vmem>> -> memref<1x16xi32, #tpu.memory_space<vmem>>
          %dma_start3A_352 = tpu.memref_squeeze %dma_start3A_351 : memref<1x16xi32, #tpu.memory_space<vmem>> -> memref<16xi32, #tpu.memory_space<vmem>>
          %dma_start3A_353 = tpu.memref_slice %arg3[%add3A_332] : memref<51200xi32, #tpu.memory_space<hbm>> -> memref<16xi32, #tpu.memory_space<hbm>>
          %dma_start3A_354 = arith.constant 0 : i32
          %dma_start3A_355 = tpu.memref_slice %arg5[%run_scoped3A_333, %dma_start3A_354] : memref<4x16xi32, #tpu.memory_space<vmem>> -> memref<1x16xi32, #tpu.memory_space<vmem>>
          %dma_start3A_356 = tpu.memref_squeeze %dma_start3A_355 : memref<1x16xi32, #tpu.memory_space<vmem>> -> memref<16xi32, #tpu.memory_space<vmem>>
          %dma_start3A_357 = tpu.memref_slice %arg3[%add3A_332] : memref<51200xi32, #tpu.memory_space<hbm>> -> memref<16xi32, #tpu.memory_space<hbm>>
          tpu.enqueue_dma source(%dma_start3A_357 : memref<16xi32, #tpu.memory_space<hbm>>) target(%dma_start3A_356 : memref<16xi32, #tpu.memory_space<vmem>>) target_semaphore(%run_scoped3A_349 : memref<!tpu.dma_semaphore, #tpu.memory_space<semaphore_mem>>)
          %dma_wait3A_358 = arith.constant 0 : i32
          %dma_wait3A_359 = tpu.memref_slice %arg5[%run_scoped3A_333, %dma_wait3A_358] : memref<4x16xi32, #tpu.memory_space<vmem>> -> memref<1x16xi32, #tpu.memory_space<vmem>>
          %dma_wait3A_360 = tpu.memref_squeeze %dma_wait3A_359 : memref<1x16xi32, #tpu.memory_space<vmem>> -> memref<16xi32, #tpu.memory_space<vmem>>
          %dma_wait3A_361 = tpu.memref_slice %arg3[%add3A_332] : memref<51200xi32, #tpu.memory_space<hbm>> -> memref<16xi32, #tpu.memory_space<hbm>>
          %dma_wait3A_362 = arith.constant 0 : i32
          %dma_wait3A_363 = tpu.memref_slice %arg5[%run_scoped3A_333, %dma_wait3A_362] : memref<4x16xi32, #tpu.memory_space<vmem>> -> memref<1x16xi32, #tpu.memory_space<vmem>>
          %dma_wait3A_364 = tpu.memref_squeeze %dma_wait3A_363 : memref<1x16xi32, #tpu.memory_space<vmem>> -> memref<16xi32, #tpu.memory_space<vmem>>
          %dma_wait3A_365 = tpu.memref_slice %arg3[%add3A_332] : memref<51200xi32, #tpu.memory_space<hbm>> -> memref<16xi32, #tpu.memory_space<hbm>>
          tpu.wait_dma2 semaphore(%run_scoped3A_349 : memref<!tpu.dma_semaphore, #tpu.memory_space<semaphore_mem>>) src(%dma_wait3A_365 : memref<16xi32, #tpu.memory_space<hbm>>) dst(%dma_wait3A_364 : memref<16xi32, #tpu.memory_space<vmem>>)
          tpu.yield
        }) : () -> ()
        %dma_start3A_334 = arith.constant 2 : i32
        %dma_start3A_335 = arith.constant 2 : i32
        %dma_start3A_336 = arith.constant 2 : i32
        %dma_start3A_337 = arith.constant 0 : i32
        %dma_start3A_338 = arith.constant 0 : i32
        %dma_start3A_339 = tpu.memref_slice %arg6[%dma_start3A_335, %dma_start3A_337, %dma_start3A_338] : memref<4x16x1024xf32, #tpu.memory_space<vmem>> -> memref<1x16x1024xf32, #tpu.memory_space<vmem>>
        %dma_start3A_340 = tpu.memref_squeeze %dma_start3A_339 : memref<1x16x1024xf32, #tpu.memory_space<vmem>> -> memref<16x1024xf32, #tpu.memory_space<vmem>>
        %dma_start3A_341 = arith.constant 0 : i32
        %dma_start3A_342 = tpu.memref_slice %arg5[%dma_start3A_334, %dma_start3A_341] : memref<4x16xi32, #tpu.memory_space<vmem>> -> memref<1x16xi32, #tpu.memory_space<vmem>>
        %dma_start3A_343 = tpu.memref_squeeze %dma_start3A_342 : memref<1x16xi32, #tpu.memory_space<vmem>> -> memref<16xi32, #tpu.memory_space<vmem>>
        %dma_start3A_344 = arith.constant 0 : i32
        %dma_start3A_345 = arith.constant 0 : i32
        %dma_start3A_346 = tpu.memref_slice %arg2[%dma_start3A_344, %dma_start3A_345] : memref<100000x1024xf32, #tpu.memory_space<hbm>> -> memref<100000x1024xf32, #tpu.memory_space<hbm>>
        %dma_start3A_347 = tpu.memref_slice %arg7[%dma_start3A_336] : memref<4x!tpu.dma_semaphore, #tpu.memory_space<semaphore_mem>> -> memref<1x!tpu.dma_semaphore, #tpu.memory_space<semaphore_mem>>
        %dma_start3A_348 = tpu.memref_squeeze %dma_start3A_347 : memref<1x!tpu.dma_semaphore, #tpu.memory_space<semaphore_mem>> -> memref<!tpu.dma_semaphore, #tpu.memory_space<semaphore_mem>>
        tpu.enqueue_indirect_dma source(%dma_start3A_346 : memref<100000x1024xf32, #tpu.memory_space<hbm>>) target(%dma_start3A_340 : memref<16x1024xf32, #tpu.memory_space<vmem>>) offsets(%dma_start3A_343 : memref<16xi32, #tpu.memory_space<vmem>>) semaphore(%dma_start3A_348 : memref<!tpu.dma_semaphore, #tpu.memory_space<semaphore_mem>>)
      } else {
      }
      %add3A_269 = arith.constant 3 : i32
      %add3A_270 = arith.addi %mul3A_142, %add3A_269 : i32
      %dma_wait3A_271 = arith.constant 3 : i32
      %dma_wait3A_272 = arith.constant 3 : i32
      %dma_wait3A_273 = arith.constant 3 : i32
      %dma_wait3A_274 = arith.constant 0 : i32
      %dma_wait3A_275 = arith.constant 0 : i32
      %dma_wait3A_276 = tpu.memref_slice %arg6[%dma_wait3A_272, %dma_wait3A_274, %dma_wait3A_275] : memref<4x16x1024xf32, #tpu.memory_space<vmem>> -> memref<1x16x1024xf32, #tpu.memory_space<vmem>>
      %dma_wait3A_277 = tpu.memref_squeeze %dma_wait3A_276 : memref<1x16x1024xf32, #tpu.memory_space<vmem>> -> memref<16x1024xf32, #tpu.memory_space<vmem>>
      %dma_wait3A_278 = arith.constant 0 : i32
      %dma_wait3A_279 = tpu.memref_slice %arg5[%dma_wait3A_271, %dma_wait3A_278] : memref<4x16xi32, #tpu.memory_space<vmem>> -> memref<1x16xi32, #tpu.memory_space<vmem>>
      %dma_wait3A_280 = tpu.memref_squeeze %dma_wait3A_279 : memref<1x16xi32, #tpu.memory_space<vmem>> -> memref<16xi32, #tpu.memory_space<vmem>>
      %dma_wait3A_281 = arith.constant 0 : i32
      %dma_wait3A_282 = arith.constant 0 : i32
      %dma_wait3A_283 = tpu.memref_slice %arg2[%dma_wait3A_281, %dma_wait3A_282] : memref<100000x1024xf32, #tpu.memory_space<hbm>> -> memref<100000x1024xf32, #tpu.memory_space<hbm>>
      %dma_wait3A_284 = tpu.memref_slice %arg7[%dma_wait3A_273] : memref<4x!tpu.dma_semaphore, #tpu.memory_space<semaphore_mem>> -> memref<1x!tpu.dma_semaphore, #tpu.memory_space<semaphore_mem>>
      %dma_wait3A_285 = tpu.memref_squeeze %dma_wait3A_284 : memref<1x!tpu.dma_semaphore, #tpu.memory_space<semaphore_mem>> -> memref<!tpu.dma_semaphore, #tpu.memory_space<semaphore_mem>>
      tpu.wait_indirect_dma semaphore(%dma_wait3A_285 : memref<!tpu.dma_semaphore, #tpu.memory_space<semaphore_mem>>) src(%dma_wait3A_283 : memref<100000x1024xf32, #tpu.memory_space<hbm>>) dst(%dma_wait3A_277 : memref<16x1024xf32, #tpu.memory_space<vmem>>)
      %mul3A_286 = arith.constant 16 : i32
      %mul3A_287 = arith.muli %add3A_270, %mul3A_286 : i32
      %add3A_288 = arith.addi %mul3A_2, %mul3A_287 : i32
      %dma_start3A_289 = arith.constant 3 : i32
      %dma_start3A_290 = arith.constant 3 : i32
      %dma_start3A_291 = arith.constant 0 : i32
      %dma_start3A_292 = arith.constant 0 : i32
      %dma_start3A_293 = tpu.memref_slice %arg6[%dma_start3A_289, %dma_start3A_291, %dma_start3A_292] : memref<4x16x1024xf32, #tpu.memory_space<vmem>> -> memref<1x16x1024xf32, #tpu.memory_space<vmem>>
      %dma_start3A_294 = tpu.memref_squeeze %dma_start3A_293 : memref<1x16x1024xf32, #tpu.memory_space<vmem>> -> memref<16x1024xf32, #tpu.memory_space<vmem>>
      %dma_start3A_295 = arith.constant 0 : i32
      %dma_start3A_296 = tpu.memref_slice %arg4[%add3A_288, %dma_start3A_295] : memref<51200x1024xf32, #tpu.memory_space<hbm>> -> memref<16x1024xf32, #tpu.memory_space<hbm>>
      %dma_start3A_297 = tpu.memref_slice %arg8[%dma_start3A_290] : memref<4x!tpu.dma_semaphore, #tpu.memory_space<semaphore_mem>> -> memref<1x!tpu.dma_semaphore, #tpu.memory_space<semaphore_mem>>
      %dma_start3A_298 = tpu.memref_squeeze %dma_start3A_297 : memref<1x!tpu.dma_semaphore, #tpu.memory_space<semaphore_mem>> -> memref<!tpu.dma_semaphore, #tpu.memory_space<semaphore_mem>>
      %dma_start3A_299 = arith.constant 0 : i32
      %dma_start3A_300 = tpu.memref_slice %arg4[%add3A_288, %dma_start3A_299] : memref<51200x1024xf32, #tpu.memory_space<hbm>> -> memref<16x1024xf32, #tpu.memory_space<hbm>>
      %dma_start3A_301 = arith.constant 0 : i32
      %dma_start3A_302 = arith.constant 0 : i32
      %dma_start3A_303 = tpu.memref_slice %arg6[%dma_start3A_289, %dma_start3A_301, %dma_start3A_302] : memref<4x16x1024xf32, #tpu.memory_space<vmem>> -> memref<1x16x1024xf32, #tpu.memory_space<vmem>>
      %dma_start3A_304 = tpu.memref_squeeze %dma_start3A_303 : memref<1x16x1024xf32, #tpu.memory_space<vmem>> -> memref<16x1024xf32, #tpu.memory_space<vmem>>
      tpu.enqueue_dma source(%dma_start3A_304 : memref<16x1024xf32, #tpu.memory_space<vmem>>) target(%dma_start3A_300 : memref<16x1024xf32, #tpu.memory_space<hbm>>) target_semaphore(%dma_start3A_298 : memref<!tpu.dma_semaphore, #tpu.memory_space<semaphore_mem>>)
      %add3A_305 = arith.constant 4 : i32
      %add3A_306 = arith.addi %add3A_270, %add3A_305 : i32
      %lt3A_307 = arith.constant 100 : i32
      %lt3A_308 = arith.cmpi slt, %add3A_306, %lt3A_307 : i32
      %convert_element_type3A_309 = arith.extui %lt3A_308 : i1 to i32
      %cond3A_310 = arith.constant 0 : i32
      %cond3A_311 = arith.cmpi ne, %convert_element_type3A_309, %cond3A_310 : i32
      scf.if %cond3A_311 {
        %dma_wait3A_312 = arith.constant 3 : i32
        %dma_wait3A_313 = arith.constant 3 : i32
        %dma_wait3A_314 = arith.constant 0 : i32
        %dma_wait3A_315 = arith.constant 0 : i32
        %dma_wait3A_316 = tpu.memref_slice %arg6[%dma_wait3A_312, %dma_wait3A_314, %dma_wait3A_315] : memref<4x16x1024xf32, #tpu.memory_space<vmem>> -> memref<1x16x1024xf32, #tpu.memory_space<vmem>>
        %dma_wait3A_317 = tpu.memref_squeeze %dma_wait3A_316 : memref<1x16x1024xf32, #tpu.memory_space<vmem>> -> memref<16x1024xf32, #tpu.memory_space<vmem>>
        %dma_wait3A_318 = arith.constant 0 : i32
        %dma_wait3A_319 = tpu.memref_slice %arg4[%mul3A_2, %dma_wait3A_318] : memref<51200x1024xf32, #tpu.memory_space<hbm>> -> memref<16x1024xf32, #tpu.memory_space<hbm>>
        %dma_wait3A_320 = tpu.memref_slice %arg8[%dma_wait3A_313] : memref<4x!tpu.dma_semaphore, #tpu.memory_space<semaphore_mem>> -> memref<1x!tpu.dma_semaphore, #tpu.memory_space<semaphore_mem>>
        %dma_wait3A_321 = tpu.memref_squeeze %dma_wait3A_320 : memref<1x!tpu.dma_semaphore, #tpu.memory_space<semaphore_mem>> -> memref<!tpu.dma_semaphore, #tpu.memory_space<semaphore_mem>>
        %dma_wait3A_322 = arith.constant 0 : i32
        %dma_wait3A_323 = tpu.memref_slice %arg4[%mul3A_2, %dma_wait3A_322] : memref<51200x1024xf32, #tpu.memory_space<hbm>> -> memref<16x1024xf32, #tpu.memory_space<hbm>>
        %dma_wait3A_324 = arith.constant 0 : i32
        %dma_wait3A_325 = arith.constant 0 : i32
        %dma_wait3A_326 = tpu.memref_slice %arg6[%dma_wait3A_312, %dma_wait3A_324, %dma_wait3A_325] : memref<4x16x1024xf32, #tpu.memory_space<vmem>> -> memref<1x16x1024xf32, #tpu.memory_space<vmem>>
        %dma_wait3A_327 = tpu.memref_squeeze %dma_wait3A_326 : memref<1x16x1024xf32, #tpu.memory_space<vmem>> -> memref<16x1024xf32, #tpu.memory_space<vmem>>
        tpu.wait_dma2 semaphore(%dma_wait3A_321 : memref<!tpu.dma_semaphore, #tpu.memory_space<semaphore_mem>>) src(%dma_wait3A_327 : memref<16x1024xf32, #tpu.memory_space<vmem>>) dst(%dma_wait3A_323 : memref<16x1024xf32, #tpu.memory_space<hbm>>)
        %add3A_328 = arith.constant 4 : i32
        %add3A_329 = arith.addi %add3A_270, %add3A_328 : i32
        %mul3A_330 = arith.constant 16 : i32
        %mul3A_331 = arith.muli %add3A_329, %mul3A_330 : i32
        %add3A_332 = arith.addi %mul3A_2, %mul3A_331 : i32
        %run_scoped3A_333 = arith.constant 3 : i32
        "tpu.region"() ({
          %run_scoped3A_349 = tpu.sem_alloc : memref<!tpu.dma_semaphore, #tpu.memory_space<semaphore_mem>>
          %dma_start3A_350 = arith.constant 0 : i32
          %dma_start3A_351 = tpu.memref_slice %arg5[%run_scoped3A_333, %dma_start3A_350] : memref<4x16xi32, #tpu.memory_space<vmem>> -> memref<1x16xi32, #tpu.memory_space<vmem>>
          %dma_start3A_352 = tpu.memref_squeeze %dma_start3A_351 : memref<1x16xi32, #tpu.memory_space<vmem>> -> memref<16xi32, #tpu.memory_space<vmem>>
          %dma_start3A_353 = tpu.memref_slice %arg3[%add3A_332] : memref<51200xi32, #tpu.memory_space<hbm>> -> memref<16xi32, #tpu.memory_space<hbm>>
          %dma_start3A_354 = arith.constant 0 : i32
          %dma_start3A_355 = tpu.memref_slice %arg5[%run_scoped3A_333, %dma_start3A_354] : memref<4x16xi32, #tpu.memory_space<vmem>> -> memref<1x16xi32, #tpu.memory_space<vmem>>
          %dma_start3A_356 = tpu.memref_squeeze %dma_start3A_355 : memref<1x16xi32, #tpu.memory_space<vmem>> -> memref<16xi32, #tpu.memory_space<vmem>>
          %dma_start3A_357 = tpu.memref_slice %arg3[%add3A_332] : memref<51200xi32, #tpu.memory_space<hbm>> -> memref<16xi32, #tpu.memory_space<hbm>>
          tpu.enqueue_dma source(%dma_start3A_357 : memref<16xi32, #tpu.memory_space<hbm>>) target(%dma_start3A_356 : memref<16xi32, #tpu.memory_space<vmem>>) target_semaphore(%run_scoped3A_349 : memref<!tpu.dma_semaphore, #tpu.memory_space<semaphore_mem>>)
          %dma_wait3A_358 = arith.constant 0 : i32
          %dma_wait3A_359 = tpu.memref_slice %arg5[%run_scoped3A_333, %dma_wait3A_358] : memref<4x16xi32, #tpu.memory_space<vmem>> -> memref<1x16xi32, #tpu.memory_space<vmem>>
          %dma_wait3A_360 = tpu.memref_squeeze %dma_wait3A_359 : memref<1x16xi32, #tpu.memory_space<vmem>> -> memref<16xi32, #tpu.memory_space<vmem>>
          %dma_wait3A_361 = tpu.memref_slice %arg3[%add3A_332] : memref<51200xi32, #tpu.memory_space<hbm>> -> memref<16xi32, #tpu.memory_space<hbm>>
          %dma_wait3A_362 = arith.constant 0 : i32
          %dma_wait3A_363 = tpu.memref_slice %arg5[%run_scoped3A_333, %dma_wait3A_362] : memref<4x16xi32, #tpu.memory_space<vmem>> -> memref<1x16xi32, #tpu.memory_space<vmem>>
          %dma_wait3A_364 = tpu.memref_squeeze %dma_wait3A_363 : memref<1x16xi32, #tpu.memory_space<vmem>> -> memref<16xi32, #tpu.memory_space<vmem>>
          %dma_wait3A_365 = tpu.memref_slice %arg3[%add3A_332] : memref<51200xi32, #tpu.memory_space<hbm>> -> memref<16xi32, #tpu.memory_space<hbm>>
          tpu.wait_dma2 semaphore(%run_scoped3A_349 : memref<!tpu.dma_semaphore, #tpu.memory_space<semaphore_mem>>) src(%dma_wait3A_365 : memref<16xi32, #tpu.memory_space<hbm>>) dst(%dma_wait3A_364 : memref<16xi32, #tpu.memory_space<vmem>>)
          tpu.yield
        }) : () -> ()
        %dma_start3A_334 = arith.constant 3 : i32
        %dma_start3A_335 = arith.constant 3 : i32
        %dma_start3A_336 = arith.constant 3 : i32
        %dma_start3A_337 = arith.constant 0 : i32
        %dma_start3A_338 = arith.constant 0 : i32
        %dma_start3A_339 = tpu.memref_slice %arg6[%dma_start3A_335, %dma_start3A_337, %dma_start3A_338] : memref<4x16x1024xf32, #tpu.memory_space<vmem>> -> memref<1x16x1024xf32, #tpu.memory_space<vmem>>
        %dma_start3A_340 = tpu.memref_squeeze %dma_start3A_339 : memref<1x16x1024xf32, #tpu.memory_space<vmem>> -> memref<16x1024xf32, #tpu.memory_space<vmem>>
        %dma_start3A_341 = arith.constant 0 : i32
        %dma_start3A_342 = tpu.memref_slice %arg5[%dma_start3A_334, %dma_start3A_341] : memref<4x16xi32, #tpu.memory_space<vmem>> -> memref<1x16xi32, #tpu.memory_space<vmem>>
        %dma_start3A_343 = tpu.memref_squeeze %dma_start3A_342 : memref<1x16xi32, #tpu.memory_space<vmem>> -> memref<16xi32, #tpu.memory_space<vmem>>
        %dma_start3A_344 = arith.constant 0 : i32
        %dma_start3A_345 = arith.constant 0 : i32
        %dma_start3A_346 = tpu.memref_slice %arg2[%dma_start3A_344, %dma_start3A_345] : memref<100000x1024xf32, #tpu.memory_space<hbm>> -> memref<100000x1024xf32, #tpu.memory_space<hbm>>
        %dma_start3A_347 = tpu.memref_slice %arg7[%dma_start3A_336] : memref<4x!tpu.dma_semaphore, #tpu.memory_space<semaphore_mem>> -> memref<1x!tpu.dma_semaphore, #tpu.memory_space<semaphore_mem>>
        %dma_start3A_348 = tpu.memref_squeeze %dma_start3A_347 : memref<1x!tpu.dma_semaphore, #tpu.memory_space<semaphore_mem>> -> memref<!tpu.dma_semaphore, #tpu.memory_space<semaphore_mem>>
        tpu.enqueue_indirect_dma source(%dma_start3A_346 : memref<100000x1024xf32, #tpu.memory_space<hbm>>) target(%dma_start3A_340 : memref<16x1024xf32, #tpu.memory_space<vmem>>) offsets(%dma_start3A_343 : memref<16xi32, #tpu.memory_space<vmem>>) semaphore(%dma_start3A_348 : memref<!tpu.dma_semaphore, #tpu.memory_space<semaphore_mem>>)
      } else {
      }
    }
    %scan3A_76 = arith.constant 25 : i32
    %dma_wait3A = arith.constant 0 : i32
    %dma_wait3A_77 = arith.constant 0 : i32
    %dma_wait3A_78 = arith.constant 0 : i32
    %dma_wait3A_79 = arith.constant 0 : i32
    %dma_wait3A_80 = tpu.memref_slice %arg6[%dma_wait3A, %dma_wait3A_78, %dma_wait3A_79] : memref<4x16x1024xf32, #tpu.memory_space<vmem>> -> memref<1x16x1024xf32, #tpu.memory_space<vmem>>
    %dma_wait3A_81 = tpu.memref_squeeze %dma_wait3A_80 : memref<1x16x1024xf32, #tpu.memory_space<vmem>> -> memref<16x1024xf32, #tpu.memory_space<vmem>>
    %dma_wait3A_82 = arith.constant 0 : i32
    %dma_wait3A_83 = tpu.memref_slice %arg4[%mul3A_2, %dma_wait3A_82] : memref<51200x1024xf32, #tpu.memory_space<hbm>> -> memref<16x1024xf32, #tpu.memory_space<hbm>>
    %dma_wait3A_84 = tpu.memref_slice %arg8[%dma_wait3A_77] : memref<4x!tpu.dma_semaphore, #tpu.memory_space<semaphore_mem>> -> memref<1x!tpu.dma_semaphore, #tpu.memory_space<semaphore_mem>>
    %dma_wait3A_85 = tpu.memref_squeeze %dma_wait3A_84 : memref<1x!tpu.dma_semaphore, #tpu.memory_space<semaphore_mem>> -> memref<!tpu.dma_semaphore, #tpu.memory_space<semaphore_mem>>
    %dma_wait3A_86 = arith.constant 0 : i32
    %dma_wait3A_87 = tpu.memref_slice %arg4[%mul3A_2, %dma_wait3A_86] : memref<51200x1024xf32, #tpu.memory_space<hbm>> -> memref<16x1024xf32, #tpu.memory_space<hbm>>
    %dma_wait3A_88 = arith.constant 0 : i32
    %dma_wait3A_89 = arith.constant 0 : i32
    %dma_wait3A_90 = tpu.memref_slice %arg6[%dma_wait3A, %dma_wait3A_88, %dma_wait3A_89] : memref<4x16x1024xf32, #tpu.memory_space<vmem>> -> memref<1x16x1024xf32, #tpu.memory_space<vmem>>
    %dma_wait3A_91 = tpu.memref_squeeze %dma_wait3A_90 : memref<1x16x1024xf32, #tpu.memory_space<vmem>> -> memref<16x1024xf32, #tpu.memory_space<vmem>>
    tpu.wait_dma2 semaphore(%dma_wait3A_85 : memref<!tpu.dma_semaphore, #tpu.memory_space<semaphore_mem>>) src(%dma_wait3A_91 : memref<16x1024xf32, #tpu.memory_space<vmem>>) dst(%dma_wait3A_87 : memref<16x1024xf32, #tpu.memory_space<hbm>>)
    %dma_wait3A_92 = arith.constant 1 : i32
    %dma_wait3A_93 = arith.constant 1 : i32
    %dma_wait3A_94 = arith.constant 0 : i32
    %dma_wait3A_95 = arith.constant 0 : i32
    %dma_wait3A_96 = tpu.memref_slice %arg6[%dma_wait3A_92, %dma_wait3A_94, %dma_wait3A_95] : memref<4x16x1024xf32, #tpu.memory_space<vmem>> -> memref<1x16x1024xf32, #tpu.memory_space<vmem>>
    %dma_wait3A_97 = tpu.memref_squeeze %dma_wait3A_96 : memref<1x16x1024xf32, #tpu.memory_space<vmem>> -> memref<16x1024xf32, #tpu.memory_space<vmem>>
    %dma_wait3A_98 = arith.constant 0 : i32
    %dma_wait3A_99 = tpu.memref_slice %arg4[%mul3A_2, %dma_wait3A_98] : memref<51200x1024xf32, #tpu.memory_space<hbm>> -> memref<16x1024xf32, #tpu.memory_space<hbm>>
    %dma_wait3A_100 = tpu.memref_slice %arg8[%dma_wait3A_93] : memref<4x!tpu.dma_semaphore, #tpu.memory_space<semaphore_mem>> -> memref<1x!tpu.dma_semaphore, #tpu.memory_space<semaphore_mem>>
    %dma_wait3A_101 = tpu.memref_squeeze %dma_wait3A_100 : memref<1x!tpu.dma_semaphore, #tpu.memory_space<semaphore_mem>> -> memref<!tpu.dma_semaphore, #tpu.memory_space<semaphore_mem>>
    %dma_wait3A_102 = arith.constant 0 : i32
    %dma_wait3A_103 = tpu.memref_slice %arg4[%mul3A_2, %dma_wait3A_102] : memref<51200x1024xf32, #tpu.memory_space<hbm>> -> memref<16x1024xf32, #tpu.memory_space<hbm>>
    %dma_wait3A_104 = arith.constant 0 : i32
    %dma_wait3A_105 = arith.constant 0 : i32
    %dma_wait3A_106 = tpu.memref_slice %arg6[%dma_wait3A_92, %dma_wait3A_104, %dma_wait3A_105] : memref<4x16x1024xf32, #tpu.memory_space<vmem>> -> memref<1x16x1024xf32, #tpu.memory_space<vmem>>
    %dma_wait3A_107 = tpu.memref_squeeze %dma_wait3A_106 : memref<1x16x1024xf32, #tpu.memory_space<vmem>> -> memref<16x1024xf32, #tpu.memory_space<vmem>>
    tpu.wait_dma2 semaphore(%dma_wait3A_101 : memref<!tpu.dma_semaphore, #tpu.memory_space<semaphore_mem>>) src(%dma_wait3A_107 : memref<16x1024xf32, #tpu.memory_space<vmem>>) dst(%dma_wait3A_103 : memref<16x1024xf32, #tpu.memory_space<hbm>>)
    %dma_wait3A_108 = arith.constant 2 : i32
    %dma_wait3A_109 = arith.constant 2 : i32
    %dma_wait3A_110 = arith.constant 0 : i32
    %dma_wait3A_111 = arith.constant 0 : i32
    %dma_wait3A_112 = tpu.memref_slice %arg6[%dma_wait3A_108, %dma_wait3A_110, %dma_wait3A_111] : memref<4x16x1024xf32, #tpu.memory_space<vmem>> -> memref<1x16x1024xf32, #tpu.memory_space<vmem>>
    %dma_wait3A_113 = tpu.memref_squeeze %dma_wait3A_112 : memref<1x16x1024xf32, #tpu.memory_space<vmem>> -> memref<16x1024xf32, #tpu.memory_space<vmem>>
    %dma_wait3A_114 = arith.constant 0 : i32
    %dma_wait3A_115 = tpu.memref_slice %arg4[%mul3A_2, %dma_wait3A_114] : memref<51200x1024xf32, #tpu.memory_space<hbm>> -> memref<16x1024xf32, #tpu.memory_space<hbm>>
    %dma_wait3A_116 = tpu.memref_slice %arg8[%dma_wait3A_109] : memref<4x!tpu.dma_semaphore, #tpu.memory_space<semaphore_mem>> -> memref<1x!tpu.dma_semaphore, #tpu.memory_space<semaphore_mem>>
    %dma_wait3A_117 = tpu.memref_squeeze %dma_wait3A_116 : memref<1x!tpu.dma_semaphore, #tpu.memory_space<semaphore_mem>> -> memref<!tpu.dma_semaphore, #tpu.memory_space<semaphore_mem>>
    %dma_wait3A_118 = arith.constant 0 : i32
    %dma_wait3A_119 = tpu.memref_slice %arg4[%mul3A_2, %dma_wait3A_118] : memref<51200x1024xf32, #tpu.memory_space<hbm>> -> memref<16x1024xf32, #tpu.memory_space<hbm>>
    %dma_wait3A_120 = arith.constant 0 : i32
    %dma_wait3A_121 = arith.constant 0 : i32
    %dma_wait3A_122 = tpu.memref_slice %arg6[%dma_wait3A_108, %dma_wait3A_120, %dma_wait3A_121] : memref<4x16x1024xf32, #tpu.memory_space<vmem>> -> memref<1x16x1024xf32, #tpu.memory_space<vmem>>
    %dma_wait3A_123 = tpu.memref_squeeze %dma_wait3A_122 : memref<1x16x1024xf32, #tpu.memory_space<vmem>> -> memref<16x1024xf32, #tpu.memory_space<vmem>>
    tpu.wait_dma2 semaphore(%dma_wait3A_117 : memref<!tpu.dma_semaphore, #tpu.memory_space<semaphore_mem>>) src(%dma_wait3A_123 : memref<16x1024xf32, #tpu.memory_space<vmem>>) dst(%dma_wait3A_119 : memref<16x1024xf32, #tpu.memory_space<hbm>>)
    %dma_wait3A_124 = arith.constant 3 : i32
    %dma_wait3A_125 = arith.constant 3 : i32
    %dma_wait3A_126 = arith.constant 0 : i32
    %dma_wait3A_127 = arith.constant 0 : i32
    %dma_wait3A_128 = tpu.memref_slice %arg6[%dma_wait3A_124, %dma_wait3A_126, %dma_wait3A_127] : memref<4x16x1024xf32, #tpu.memory_space<vmem>> -> memref<1x16x1024xf32, #tpu.memory_space<vmem>>
    %dma_wait3A_129 = tpu.memref_squeeze %dma_wait3A_128 : memref<1x16x1024xf32, #tpu.memory_space<vmem>> -> memref<16x1024xf32, #tpu.memory_space<vmem>>
    %dma_wait3A_130 = arith.constant 0 : i32
    %dma_wait3A_131 = tpu.memref_slice %arg4[%mul3A_2, %dma_wait3A_130] : memref<51200x1024xf32, #tpu.memory_space<hbm>> -> memref<16x1024xf32, #tpu.memory_space<hbm>>
    %dma_wait3A_132 = tpu.memref_slice %arg8[%dma_wait3A_125] : memref<4x!tpu.dma_semaphore, #tpu.memory_space<semaphore_mem>> -> memref<1x!tpu.dma_semaphore, #tpu.memory_space<semaphore_mem>>
    %dma_wait3A_133 = tpu.memref_squeeze %dma_wait3A_132 : memref<1x!tpu.dma_semaphore, #tpu.memory_space<semaphore_mem>> -> memref<!tpu.dma_semaphore, #tpu.memory_space<semaphore_mem>>
    %dma_wait3A_134 = arith.constant 0 : i32
    %dma_wait3A_135 = tpu.memref_slice %arg4[%mul3A_2, %dma_wait3A_134] : memref<51200x1024xf32, #tpu.memory_space<hbm>> -> memref<16x1024xf32, #tpu.memory_space<hbm>>
    %dma_wait3A_136 = arith.constant 0 : i32
    %dma_wait3A_137 = arith.constant 0 : i32
    %dma_wait3A_138 = tpu.memref_slice %arg6[%dma_wait3A_124, %dma_wait3A_136, %dma_wait3A_137] : memref<4x16x1024xf32, #tpu.memory_space<vmem>> -> memref<1x16x1024xf32, #tpu.memory_space<vmem>>
    %dma_wait3A_139 = tpu.memref_squeeze %dma_wait3A_138 : memref<1x16x1024xf32, #tpu.memory_space<vmem>> -> memref<16x1024xf32, #tpu.memory_space<vmem>>
    tpu.wait_dma2 semaphore(%dma_wait3A_133 : memref<!tpu.dma_semaphore, #tpu.memory_space<semaphore_mem>>) src(%dma_wait3A_139 : memref<16x1024xf32, #tpu.memory_space<vmem>>) dst(%dma_wait3A_135 : memref<16x1024xf32, #tpu.memory_space<hbm>>)
    return
  }
}

module attributes {stable_mosaic.version = 14 : i64} {
  func.func @_tc_matmul_body(%arg0: i32, %arg1: memref<2048x1024xf32, #tpu.memory_space<vmem>>, %arg2: memref<1024x128xf32, #tpu.memory_space<vmem>>, %arg3: memref<1x128xf32, #tpu.memory_space<vmem>>, %arg4: memref<2048x128xf32, #tpu.memory_space<vmem>>) attributes {dimension_semantics = [#tpu.dimension_semantics<arbitrary>], iteration_bounds = array<i64: 25>, scalar_prefetch = 0 : i64, scratch_operands = 0 : i64, tpu.core_type = #tpu.core_type<tc>, window_params = [{transform_indices = @transform_0, window_bounds = array<i64: 2048, 1024>}, {pipeline_mode = #tpu.pipeline_mode<synchronous>, transform_indices = @transform_1, window_bounds = array<i64: 1024, 128>}, {pipeline_mode = #tpu.pipeline_mode<synchronous>, transform_indices = @transform_2, window_bounds = array<i64: 1, 128>}, {transform_indices = @transform_3, window_bounds = array<i64: 2048, 128>}]} {
    %get3A = arith.constant 0 : index
    %get3A_0 = arith.constant 0 : index
    %get3A_1 = vector.load %arg1[%get3A, %get3A_0] : memref<2048x1024xf32, #tpu.memory_space<vmem>>, vector<2048x1024xf32>
    %get3A_2 = arith.constant 0 : index
    %get3A_3 = arith.constant 0 : index
    %get3A_4 = vector.load %arg2[%get3A_2, %get3A_3] : memref<1024x128xf32, #tpu.memory_space<vmem>>, vector<1024x128xf32>
    %dot_general3A = arith.constant dense<0.000000e+00> : vector<2048x128xf32>
    %dot_general3A_5 = tpu.matmul %get3A_1, %get3A_4, %dot_general3A {dimension_numbers = #tpu.dot_dimension_numbers<[1], [0], [0], [1], [0, 0, 1, 1], [], []>, transpose_lhs_hint = false} : vector<2048x1024xf32>, vector<1024x128xf32>, vector<2048x128xf32> -> vector<2048x128xf32>
    %get3A_6 = arith.constant 0 : index
    %get3A_7 = arith.constant 0 : index
    %get3A_8 = vector.load %arg3[%get3A_6, %get3A_7] : memref<1x128xf32, #tpu.memory_space<vmem>>, vector<1x128xf32>
    %add3A = vector.broadcast %get3A_8 : vector<1x128xf32> to vector<2048x128xf32>
    %add3A_9 = arith.addf %dot_general3A_5, %add3A : vector<2048x128xf32>
    %swap3A = arith.constant 0 : index
    %swap3A_10 = arith.constant 0 : index
    %swap3A_11 = vector.load %arg4[%swap3A, %swap3A_10] : memref<2048x128xf32, #tpu.memory_space<vmem>>, vector<2048x128xf32>
    tpu.vector_store %arg4[%swap3A, %swap3A_10], %add3A_9 {strides = array<i32>} : memref<2048x128xf32, #tpu.memory_space<vmem>>, vector<2048x128xf32>,
    return
  }
  func.func @transform_0(%arg0: i32) -> (i32, i32) {
    %c0_i32 = arith.constant 0 : i32
    %c0_i32_0 = arith.constant 0 : i32
    return %arg0, %c0_i32 : i32, i32
  }
  func.func @transform_1(%arg0: i32) -> (i32, i32) {
    %c0_i32 = arith.constant 0 : i32
    %c0_i32_0 = arith.constant 0 : i32
    %c0_i32_1 = arith.constant 0 : i32
    return %c0_i32, %c0_i32_0 : i32, i32
  }
  func.func @transform_2(%arg0: i32) -> (i32, i32) {
    %c0_i32 = arith.constant 0 : i32
    %c0_i32_0 = arith.constant 0 : i32
    %c0_i32_1 = arith.constant 0 : i32
    return %c0_i32, %c0_i32_0 : i32, i32
  }
  func.func @transform_3(%arg0: i32) -> (i32, i32) {
    %c0_i32 = arith.constant 0 : i32
    %c0_i32_0 = arith.constant 0 : i32
    return %arg0, %c0_i32 : i32, i32
  }
}

</mosaic_0001>

<sc_bundles>
// kernel: kernel.4.cloned.1.call-start
scs
__scs_entry_jumppad:
0x0: {  	(pc) =	sbr.rel $0x88, $3  }
0x1: {  	(tag) =	ssettag $0x0;
	lr =	simm.s32 $0x1  }
0x2: {  	[smem:$0x3F9D] =	sst lr;
	_ =	strace $0xD0000000  }
0x3: {  	_ = 	snop  }
0x4: {  	_ = 	snop  }
0x5: {  	_ = 	snop  }
0x6: {  	_ = 	snop  }
0x7: {  	_ = 	snop  }
__scs_overlays_trampoline_lowered:
0x8: {  	[smem:$0x3FAC] =	sst s0  }
0x9: {  	[smem:$0x3FAD] =	sst s1  }
0xa: {  	[smem:$0x3FAE] =	sst s2  }
0xb: {  	[smem:$0x3FAF] =	sst s3  }
0xc: {  	[smem:$0x3FB0] =	sst s4  }
0xd: {  	[smem:$0x3FB1] =	sst s5  }
0xe: {  	[smem:$0x3FB2] =	sst s6  }
0xf: {  	[smem:$0x3FB3] =	sst s7  }
0x10: {  	[smem:$0x3FB4] =	sst s8  }
0x11: {  	[smem:$0x3FB5] =	sst s9;
	s0 =	simm.s32 @!p0 $0x0  }
0x12: {  	s1 =	sld [smem:$0x3F9B];
	s0 =	simm.s32 @p0 $0x1  }
0x13: {  	[smem:$0x3FB6] =	sst s0;
	s0 =	simm.s32 @!p1 $0x0  }
0x14: {  	s2 =	sld [smem:$0x3F9A];
	s0 =	simm.s32 @p1 $0x1  }
0x15: {  	[smem:$0x3FB7] =	sst s0;
	s0 =	simm.s32 @!p2 $0x0  }
0x16: {  	s3 =	sld [smem:$0x3FDB];
	s0 =	simm.s32 @p2 $0x1  }
0x17: {  	s4 =	simm.s32 $0x1BF5;
	[smem:$0x3FB9] =	sst s0  }
0x18: {  	s0 =	sld [smem:$0x3F9C];
	_ =	swait.ge [sflag:s4], $0x0  }
0x19: {  	s7 =	sld [smem:$0x3F9D]  }
0x1a: {  	s8 =	sadd.s32 $0xFFFFE003, lr  }
0x1b: {  	s9 =	sadd.s32 $0xFFFFFEF7, lr;
	s5 =	simm.s32 $0xFFFFFFFF;
	p2 =	slt.u32 s8, $0xFFFFF086  }
0x1c: {  	p1 =	slt.u32 s9, $0xF7A;
	s5 =	simm.s32 @!p2 $0x0  }
0x1d: {  	s5 =	simm.s32 @p1 $0x1;
	p0 =	seq.s32 s7, s2  }
0x1e: {  	s7 =	smul.u32 @!p0 $0xF7A, s2;
	p2 =	seq.s32 @!p0 s5, $0x0  }
0x1f: {  	s9 =	smul.u32 $0xF7A, s1;
	s8 =	simm.s32 @!p0 $0x1BF5;
	p2 =	por !p2, p0  }
0x20: {  	[sflag:s8] =	ssyncset.s32 @!p0 $0xFFFFF086;
	s6 =	sadd.s32 @!p0 s3, s7;
	s7 =	simm.s32 @!p0 $0x108  }
0x21: {  	s3 =	sadd.s32 s3, s9;
	s6 =	sadd.s32 @!p0 $0x88, s6;
	s7 =	simm.s32 @p2 $0x1082  }
0x22: {  	[simem:s7], [sflag:s8] =	dma.local @!p0 [hbm:s6], $0xF7A  }
0x23: {  	s9 =	sor.u32 $0xD0000000, s2;
	s6 =	simm.s32 $0x108;
	_ =	swait.ge @!p0 [sflag:s8], $0x0  }
0x24: {  	s3 =	sadd.s32 $0x88, s3;
	s6 =	simm.s32 @!p1 $0x1082;
	[sflag:s4] =	ssyncset.s32 $0xFFFFF086  }
0x25: {  	[simem:s6], [sflag:s4] =	dma.local [hbm:s3], $0xF7A  }
0x26: {  	[smem:$0x3F9D] =	sst s1;
	(tag) =	ssettag s2;
	_ =	strace s9  }
0x27: {  	s1 =	sld [smem:$0x3FAD]  }
0x28: {  	s2 =	sld [smem:$0x3FAE]  }
0x29: {  	s4 =	sld [smem:$0x3FB0]  }
0x2a: {  	p0 =	seq.s32 s5, $0x0;
	s5 =	sld [smem:$0x3FB1]  }
0x2b: {  	s6 =	sld [smem:$0x3FB2]  }
0x2c: {  	s7 =	sld [smem:$0x3FB3]  }
0x2d: {  	s3 =	simm.s32 $0x108;
	s8 =	sld [smem:$0x3FB4]  }
0x2e: {  	s3 =	simm.s32 @!p0 $0x1082;
	s9 =	sld [smem:$0x3FB5]  }
0x2f: {  	lr =	sadd.s32 s0, s3;
	s0 =	sld [smem:$0x3FAC]  }
0x30: {  	s3 =	sld [smem:$0x3FAF]  }
0x31: {  	[smem:$0x3FB8] =	sst s10  }
0x32: {  	s10 =	sld [smem:$0x3FB6];
	_ =	sdelay $0x3  }
0x33: {  	p0 =	seq.s32 s10, $0x1;
	s10 =	sld [smem:$0x3FB8];
	_ =	sdelay $0x3  }
0x34: {  	[smem:$0x3FB8] =	sst s10  }
0x35: {  	s10 =	sld [smem:$0x3FB7];
	_ =	sdelay $0x3  }
0x36: {  	p1 =	seq.s32 s10, $0x1;
	s10 =	sld [smem:$0x3FB8];
	_ =	sdelay $0x3  }
0x37: {  	[smem:$0x3FB8] =	sst s10  }
0x38: {  	s10 =	sld [smem:$0x3FB9]  }
0x39: {  	_ = 	snop;
	(pc) =	sbr.ind lr, $3  }
0x3a: {  	_ = 	snop  }
0x3b: {  	_ = 	snop  }
0x3c: {  	p2 =	seq.s32 s10, $0x1;
	s10 =	sld [smem:$0x3FB8]  }
0x3d: {  	_ =	shalt  }
0x3e: {  	_ =	shalt  }
0x3f: {  	_ =	shalt  }
0x40: {  	_ =	shalt  }
0x41: {  	_ =	shalt  }
0x42: {  	_ =	shalt  }
0x43: {  	_ =	shalt  }
0x44: {  	_ =	shalt  }
0x45: {  	_ =	shalt  }
0x46: {  	_ =	shalt  }
0x47: {  	_ =	shalt  }
0x48: {  	_ =	shalt  }
0x49: {  	_ =	shalt  }
0x4a: {  	_ =	shalt  }
0x4b: {  	_ =	shalt  }
0x4c: {  	_ =	shalt  }
0x4d: {  	_ =	shalt  }
0x4e: {  	_ =	shalt  }
0x4f: {  	_ =	shalt  }
0x50: {  	_ =	shalt  }
0x51: {  	_ =	shalt  }
0x52: {  	_ =	shalt  }
0x53: {  	_ =	shalt  }
0x54: {  	_ =	shalt  }
0x55: {  	_ =	shalt  }
0x56: {  	_ =	shalt  }
0x57: {  	_ =	shalt  }
0x58: {  	_ =	shalt  }
0x59: {  	_ =	shalt  }
0x5a: {  	_ =	shalt  }
0x5b: {  	_ =	shalt  }
0x5c: {  	_ =	shalt  }
0x5d: {  	_ =	shalt  }
0x5e: {  	_ =	shalt  }
0x5f: {  	_ =	shalt  }
0x60: {  	_ =	shalt  }
0x61: {  	_ =	shalt  }
0x62: {  	_ =	shalt  }
0x63: {  	_ =	shalt  }
0x64: {  	_ =	shalt  }
0x65: {  	_ =	shalt  }
0x66: {  	_ =	shalt  }
0x67: {  	_ =	shalt  }
0x68: {  	_ =	shalt  }
0x69: {  	_ =	shalt  }
0x6a: {  	_ =	shalt  }
0x6b: {  	_ =	shalt  }
0x6c: {  	_ =	shalt  }
0x6d: {  	_ =	shalt  }
0x6e: {  	_ =	shalt  }
0x6f: {  	_ =	shalt  }
0x70: {  	_ =	shalt  }
0x71: {  	_ =	shalt  }
0x72: {  	_ =	shalt  }
0x73: {  	_ =	shalt  }
0x74: {  	_ =	shalt  }
0x75: {  	_ =	shalt  }
0x76: {  	_ =	shalt  }
0x77: {  	_ =	shalt  }
0x78: {  	_ =	shalt  }
0x79: {  	_ =	shalt  }
0x7a: {  	_ =	shalt  }
0x7b: {  	_ =	shalt  }
0x7c: {  	_ =	shalt  }
0x7d: {  	_ =	shalt  }
0x7e: {  	_ =	shalt  }
0x7f: {  	_ =	shalt  }
0x80: {  	_ =	shalt  }
0x81: {  	_ =	shalt  }
0x82: {  	_ =	shalt  }
0x83: {  	_ =	shalt  }
0x84: {  	_ =	shalt  }
0x85: {  	_ =	shalt  }
0x86: {  	_ =	shalt  }
0x87: {  	_ =	shalt  }
.Lfunc_end0:
.L_simem_size_0:
called_computation_lowered:
.L_overlay_start_0:
0x88: {  	s2 =	sld [smem:$0x3FD9]  }
0x89: {  	s3 =	sld [smem:$0x3FFE];
	_ =	sdelay $0x1  }
0x8a: {  	s1 =	srdreg.scid  }
0x8b: {  	s0 =	sand.u32 $0x1, s1  }
0x8c: {  	s15 =	sshll.u32 s0, $0xA;
	s2 =	sadd.s32 s3, s2  }
0x8d: {  	s2 =	sadd.s32 s2, s15  }
0x8e: {  	[smem:$0x3FC4] =	sst s2  }
0x8f: {  	_ = 	snop  }
0x90: {  	s2 =	sld [smem:$0x3FD0];
	_ =	sdelay $0x2  }
0x91: {  	s4 =	simm.s32 $0xA;
	s5 =	simm.s32 $0x10;
	s16 =	sld [smem:$0x3FC8]  }
0x92: {  	[smem:s5], [sflag:s4] =	dma.local [hbm:s2], $0x1  }
0x93: {  	_ =	swait.eq [sflag:s4], $0x1  }
0x94: {  	[sflag:s4] =	ssyncset.done $0x0  }
0x95: {  	s17 =	sld [smem:$0x10];
	[sflag:s4] =	ssyncadd.s32 $0xFFFFFFFF  }
0x96: {  	s18 =	sld [smem:$0x11];
	(tm) =	ssettm $0x1  }
0x97: {  	s19 =	sld [smem:$0x3FFB];
	_ =	sdelay $0x3  }
0x98: {  	_ =	strace s19  }
0x99: {  	s5 =	sld [smem:$0x3FFC];
	_ =	sdelay $0x3  }
0x9a: {  	_ =	strace s5  }
0x9b: {  	s5 =	sld [smem:$0x3FFD];
	_ =	sdelay $0x3  }
0x9c: {  	_ =	strace s5  }
0x9d: {  	_ =	strace $0x8FFFFFFF  }
0x9e: {  	s20 =	sld [smem:$0x3FDB];
	_ =	sdelay $0x1  }
0x9f: {  	s6 =	simm.s32 $_scs_section_size  }
0xa0: {  	s7 =	simm.s32 $_size__tile_overlayer_lowered;
	s8 =	simm.s32 $_tile_overlayer_lowered  }
0xa1: {  	s23 =	simm.s32 $0x1BFF;
	s22 =	sshll.u32 s8, $0x1;
	s5 =	sadd.s32 s6, s20  }
0xa2: {  	s9 =	simm.s32 $0x0;
	s21 =	sshll.u32 s7, $0x1;
	s7 =	sadd.s32 s22, s5  }
0xa3: {  	[timem:s9], [sflag:s23] =	dma.local [hbm:s7], s21  }
0xa4: {  	_ =	swait.ge [sflag:s23], s21  }
0xa5: {  	s6 =	ssub.s32 $0x0, s21;
	[sflag:s23] =	ssyncset.done $0x0  }
0xa6: {  	[sflag:s23] =	ssyncadd.s32 s6;
	_ =	sdelay $0x1  }
0xa7: {  	s24 =	simm.s32 $0x1B8B  }
0xa8: {  	_ =	swait.ge [sflag:s24], $0x1  }
0xa9: {  	[sflag:s24] =	ssyncset.done $0x0  }
0xaa: {  	s25 =	simm.s32 $0x1B8E;
	[sflag:s24] =	ssyncadd.s32 $0xFFFFFFFF  }
0xab: {  	s26 =	simm.s32 $execute0_lowered;
	[smem:$0x3FD2] =	sst s25  }
0xac: {  	s6 =	sshll.u32 s26, $0x1;
	_ =	strace $0x80000046;
	[dreg:$0x1] =	wrdreg $0xFFFFFFFF  }
0xad: {  	s28 =	simm.s32 $_size_execute0_lowered;
	s5 =	sadd.s32 s5, s6;
	[dreg:$0x0] =	wrdreg $0x0  }
0xae: {  	s6 =	sshll.u32 s28, $0x1;
	[dreg:$0x2] =	wrdreg s5  }
0xaf: {  	[dreg:$0x3] =	wrdreg s6  }
0xb0: {  	[dreg:$0x4] =	wrdreg $0xC0  }
0xb1: {  	_ =	task [dreg:s9], $0x5FFFF  }
0xb2: {  	[dreg:$0x1] =	wrdreg $0xFFFFFFFF  }
0xb3: {  	[dreg:$0x0] =	wrdreg $0x60  }
0xb4: {  	[dreg:$0x2] =	wrdreg s16  }
0xb5: {  	[dreg:$0x3] =	wrdreg s17  }
0xb6: {  	[dreg:$0x4] =	wrdreg s18  }
0xb7: {  	[dreg:$0x5] =	wrdreg $0x9  }
0xb8: {  	_ =	task.clear_ibuf [dreg:s9], $0x6FFFF;
	_ =	strace $0x90000046  }
0xb9: {  	s29 =	simm.s32 $0x9;
	_ =	strace $0x80000048  }
0xba: {  	_ =	swait.ge [sflag:s29], $0x1  }
0xbb: {  	[sflag:s29] =	ssyncadd.s32 $0xFFFFFFFF  }
0xbc: {  	_ =	strace $0x90000048  }
0xbd: {  	_ =	sfence  }
0xbe: {  	s30 =	sld [smem:$0x0];
	_ =	sdelay $0x2  }
0xbf: {  	s31 =	sshll.u32 s1, $0xD;
	s1 =	sshrl.u32 s1, $0x2  }
0xc0: {  	s3 =	sand.u32 $0x4000, s31;
	s1 =	sadd.s32 s1, s30  }
0xc1: {  	s0 =	sor.u32 s3, s0;
	s1 =	sshll.u32 s1, $0x11  }
0xc2: {  	s0 =	sor.u32 s1, s0  }
0xc3: {  	s0 =	sadd.s32 $0x8F2B, s0  }
0xc4: {  	[sflag:s0] =	ssyncadd.remote.s32 $0x1  }
0xc5: {  	_ =	sfence.sel $0xFFFF  }
0xc6: {  	[dreg:$0x0] =	wrdreg $0xFFFFFFFF;
	(pc) =	sbr.abs _section_cstart, $3  }
0xc7: {  	[dreg:$0x1] =	wrdreg $0xFFFFFFFF  }
0xc8: {  	_ =	task.clear_ibuf [dreg:s9], $0x2FFFF;
	_ =	strace $0x9FFFFFFF  }
0xc9: {  	(tm) =	ssettm $0x7FFFFFFF  }
tec
execute0_lowered:
.L_overlay_start_1:
0x0: {  	(tag) =	ssettag $0x1  }
0x1: {  	s1 =	rddreg [dreg:$0x0]  }
0x2: {  	s14 =	rddreg [dreg:$0x1];
	s13 =	stileid.u32  }
0x3: {  	s0 =	srdreg.scid;
	s9 =	smul.u32 $0x320000, s13  }
0x4: {  	s2 =	rddreg [dreg:$0x2];
	s4 =	simm.s32 $0x0;
	s10 =	smul.u32 $0xC80, s13  }
0x5: {  	s29 =	simm.s32 $0xC200;
	s0 =	sand.u32 $0x1, s0;
	s22 =	smul.u32 $0x64000, s13  }
0x6: {  	s3 =	sshll.u32 s13, $0x1;
	[smem:$0x7FF] =	sst s4;
	s16 =	smul.u32 $0x640, s0  }
0x7: {  	s8 =	sadd.s32 $0x300, s1;
	s13 =	simm.s32 $0x3;
	s17 =	smul.u32 $0x190000, s0  }
0x8: {  	s3 =	sor.u32 s0, s3;
	s5 =	ssub.s32 $0x2, s0;
	s0 =	smul.u32 $0x32000, s0  }
0x9: {  	_ =	strace $0x80000047;
	s6 =	smul.u32 $0x640, s3;
	s7 =	sshrl.u32 s5, $0x1  }
0xa: {  	s3 =	smul.u32 $0x32000, s3;
	s5 =	ssub.s32 s5, s7;
	s7 =	sadd.s32 $0x200, s1  }
0xb: {  	s19 =	sadd.s32 s16, s10;
	s20 =	sadd.s32 s17, s9;
	s10 =	simm.s32 $0xEA00  }
0xc: {  	s16 =	simm.s32 $0x2;
	s6 =	sshrl.u32 s6, $0x3;
	s3 =	sadd.s32 s2, s3  }
0xd: {  	s5 =	smax.u32 s5, $0x1;
	s21 =	sadd.s32 $0x70, s19;
	s24 =	sadd.s32 $0x60, s19  }
0xe: {  	s25 =	sadd.s32 $0x50, s19;
	s31 =	sadd.s32 $0x40, s19;
	s19 =	simm.s32 $0x5  }
0xf: {  	s12 =	sadd.s32 s14, s6;
	s6 =	sadd.s32 $0x100, s1;
	[dreg:$0x8] =	wrdreg s5  }
0x10: {  	s18 =	sadd.s32 $0x30800, s3;
	s3 =	sadd.s32 $0x31800, s3;
	s9 =	sshrl.u32 s21, $0x3  }
0x11: {  	s26 =	sshrl.u32 s24, $0x3;
	s28 =	sshrl.u32 s25, $0x3;
	[dreg:$0xe] =	wrdreg s31  }
0x12: {  	s21 =	simm.s32 $0x9;
	s5 =	simm.s32 $0x4;
	[dreg:$0x4] =	wrdreg s12  }
0x13: {  	s24 =	simm.s32 $0x0;
	s11 =	sadd.s32 $0x2, s12;
	[dreg:$0x9] =	wrdreg s18  }
0x14: {  	s15 =	sadd.s32 $0x4, s12;
	s12 =	sadd.s32 $0x6, s12;
	[dreg:$0xa] =	wrdreg s3  }
0x15: {  	s3 =	sshrl.u32 s20, $0x3;
	s23 =	sadd.s32 s9, s14;
	[dreg:$0x5] =	wrdreg s11  }
0x16: {  	s30 =	sadd.s32 s28, s14;
	s18 =	simm.s32 $0x8200;
	[dreg:$0x6] =	wrdreg s15  }
0x17: {  	s9 =	simm.s32 $0xE200;
	s20 =	simm.s32 $0x6;
	[dreg:$0x7] =	wrdreg s12  }
.Ltmp0:
0x18: {  	s15 =	sadd.s32 s3, s2;
	[dreg:$0xb] =	wrdreg s23;
	(pc) =	sbr.rel .LBB2_1-.Ltmp0, $4  }
0x19: {  	s2 =	sadd.s32 s22, s2;
	[dreg:$0xd] =	wrdreg s30;
	s22 =	simm.s32 $0x200  }
0x1a: {  	v2 =	vlaneseq.u32;
	s11 =	simm.s32 $0xF200;
	s12 =	simm.s32 $0xFA00;
	s3 =	simm.s32 $0x7  }
0x1b: {  	vm0 =	vmmov $0xffff;
	v1 =	vshrl.u32 v2, $0x3;
	s23 =	simm.s32 $0x8;
	s17 =	sadd.s32 s0, s2;
	s0 =	sadd.s32 s26, s14  }
0x1c: {  	v0 =	vand.u32 $0x7, v2;
	v2 =	vor.u32 $0x8, v2;
	v1 =	vmul.u32 $0x8, v1;
	s2 =	simm.s32 $0x4200;
	s14 =	simm.s32 $0x1;
	[dreg:$0xc] =	wrdreg s0  }
.LBB2_7:
0x1d: {  	_ =	swait.ge [sflag:s5], $0x4000  }
0x1e: {  	[sflag:s5] =	ssyncset.done $0x0  }
0x1f: {  	s0 =	rddreg [dreg:$0xa];
	[sflag:s5] =	ssyncadd.s32 $0xFFFFC000  }
0x20: {  	[hbm4b:s0+s4] =	stream.linear.scatter [tilespmem:s29], [sflag:$0x8], $0x4000, $0x38;
	[tilespmem:$0x10200] =	vst v63  }
0x21: {  	_ =	swait.ge [sflag:s19], $0x4000  }
0x22: {  	[sflag:s19] =	ssyncset.done $0x0  }
0x23: {  	[sflag:s19] =	ssyncadd.s32 $0xFFFFC000  }
0x24: {  	_ =	swait.ge [sflag:s20], $0x4000  }
0x25: {  	[sflag:s20] =	ssyncset.done $0x0  }
0x26: {  	[sflag:s20] =	ssyncadd.s32 $0xFFFFC000  }
0x27: {  	_ =	swait.ge [sflag:s3], $0x4000  }
0x28: {  	[sflag:s3] =	ssyncset.done $0x0  }
0x29: {  	[sflag:s3] =	ssyncadd.s32 $0xFFFFC000  }
0x2a: {  	_ =	swait.ge [sflag:s23], $0x4000  }
0x2b: {  	s24 =	rddreg [dreg:$0xf]  }
0x2c: {  	s31 =	rddreg [dreg:$0x8];
	s24 =	sadd.s32 $0x1, s24  }
0x2d: {  	p0 =	sne.s32 s24, s31  }
.Ltmp1:
0x2e: {  	_ = 	snop;
	(pc) =	sbr.rel @!p0 .LBB2_8-.Ltmp1, $3  }
0x2f: {  	_ =	sdelay $0x1  }
0x30: {  	[sflag:s23] =	ssyncset.done $0x0  }
0x31: {  	[sflag:s23] =	ssyncadd.s32 $0xFFFFC000  }
.LBB2_1:
0x32: {  	[dreg:$0xf] =	wrdreg s24  }
0x33: {  	s0 =	rddreg [dreg:$0x4]  }
0x34: {  	[tilespmem:s4], [sflag:$0x9] =	stream.linear.gather [hbm4b:s0+s4], $0x10, $0x38;
	[tilespmem:$0x10200] =	vst v63  }
0x35: {  	_ =	swait.ge [sflag:s21], $0x10  }
0x36: {  	[sflag:s21] =	ssyncset.done $0x0  }
0x37: {  	[sflag:s21] =	ssyncadd.s32 $0xFFFFFFF0  }
0x38: {  	v3 =	vld [tilespmem:$0x0];
	_ =	sdelay $0x4  }
0x39: {  	v4 =	vshll.u32 v3, $0x3  }
0x3a: {  	v3 =	vand.u32 $0x7, v3;
	v4 =	vand.u32 $0xFFFFFFC0, v4  }
0x3b: {  	v3 =	vor.u32 v3, v4  }
0x3c: {  	v4 =	vperm.xlane v3, v0;
	_ =	sdelay $0x1  }
0x3d: {  	v4 =	vadd.s32 v1, v4;
	_ =	sdelay $0x4  }
0x3e: {  	[tilespmem:s22], [sflag:$0x1] =	stream.indirect_vreg.gather [hbm4b:s1+s4], $0x80, v4, vm0, $0xb8;
	[tilespmem:$0x10200] =	vst v63  }
0x3f: {  	s25 =	simm.s32 $0xA00;
	v3 =	vperm.xlane v3, v2  }
0x40: {  	[tilespmem:s25], [sflag:$0x1] =	stream.indirect_vreg.gather [hbm4b:s6+s4], $0x80, v4, vm0, $0xb8;
	[tilespmem:$0x10200] =	vst v63  }
0x41: {  	s26 =	simm.s32 $0x1200;
	v3 =	vadd.s32 v1, v3  }
0x42: {  	[tilespmem:s26], [sflag:$0x1] =	stream.indirect_vreg.gather [hbm4b:s7+s4], $0x80, v4, vm0, $0xb8;
	[tilespmem:$0x10200] =	vst v63  }
0x43: {  	s31 =	simm.s32 $0x1A00  }
0x44: {  	[tilespmem:s31], [sflag:$0x1] =	stream.indirect_vreg.gather [hbm4b:s8+s4], $0x80, v4, vm0, $0xb8;
	[tilespmem:$0x10200] =	vst v63  }
0x45: {  	s24 =	simm.s32 $0x2200  }
0x46: {  	[tilespmem:s24], [sflag:$0x1] =	stream.indirect_vreg.gather [hbm4b:s1+s4], $0x80, v3, vm0, $0xb8;
	[tilespmem:$0x10200] =	vst v63  }
0x47: {  	s25 =	simm.s32 $0x2A00  }
0x48: {  	[tilespmem:s25], [sflag:$0x1] =	stream.indirect_vreg.gather [hbm4b:s6+s4], $0x80, v3, vm0, $0xb8;
	[tilespmem:$0x10200] =	vst v63  }
0x49: {  	s26 =	simm.s32 $0x3200  }
0x4a: {  	[tilespmem:s26], [sflag:$0x1] =	stream.indirect_vreg.gather [hbm4b:s7+s4], $0x80, v3, vm0, $0xb8;
	[tilespmem:$0x10200] =	vst v63  }
0x4b: {  	s31 =	simm.s32 $0x3A00  }
0x4c: {  	[tilespmem:s31], [sflag:$0x1] =	stream.indirect_vreg.gather [hbm4b:s8+s4], $0x80, v3, vm0, $0xb8;
	[tilespmem:$0x10200] =	vst v63  }
0x4d: {  	s24 =	rddreg [dreg:$0x5];
	s25 =	simm.s32 $0x80  }
0x4e: {  	[tilespmem:s25], [sflag:$0x9] =	stream.linear.gather [hbm4b:s24+s4], $0x10, $0x38;
	[tilespmem:$0x10200] =	vst v63  }
0x4f: {  	_ =	swait.ge [sflag:s21], $0x10  }
0x50: {  	[sflag:s21] =	ssyncset.done $0x0  }
0x51: {  	[sflag:s21] =	ssyncadd.s32 $0xFFFFFFF0  }
0x52: {  	v3 =	vld [tilespmem:$0x80];
	_ =	sdelay $0x4  }
0x53: {  	v61 =	vshll.u32 v3, $0x3  }
0x54: {  	v3 =	vand.u32 $0x7, v3;
	v4 =	vand.u32 $0xFFFFFFC0, v61  }
0x55: {  	v3 =	vor.u32 v3, v4  }
0x56: {  	v4 =	vperm.xlane v3, v0;
	_ =	sdelay $0x1  }
0x57: {  	v4 =	vadd.s32 v1, v4;
	_ =	sdelay $0x4  }
0x58: {  	[tilespmem:s2], [sflag:$0x2] =	stream.indirect_vreg.gather [hbm4b:s1+s4], $0x80, v4, vm0, $0xb8;
	[tilespmem:$0x10200] =	vst v63  }
0x59: {  	s26 =	simm.s32 $0x4A00;
	v3 =	vperm.xlane v3, v2  }
0x5a: {  	[tilespmem:s26], [sflag:$0x2] =	stream.indirect_vreg.gather [hbm4b:s6+s4], $0x80, v4, vm0, $0xb8;
	[tilespmem:$0x10200] =	vst v63  }
0x5b: {  	s31 =	simm.s32 $0x5200;
	v3 =	vadd.s32 v1, v3  }
0x5c: {  	[tilespmem:s31], [sflag:$0x2] =	stream.indirect_vreg.gather [hbm4b:s7+s4], $0x80, v4, vm0, $0xb8;
	[tilespmem:$0x10200] =	vst v63  }
0x5d: {  	s24 =	simm.s32 $0x5A00  }
0x5e: {  	[tilespmem:s24], [sflag:$0x2] =	stream.indirect_vreg.gather [hbm4b:s8+s4], $0x80, v4, vm0, $0xb8;
	[tilespmem:$0x10200] =	vst v63  }
0x5f: {  	s25 =	simm.s32 $0x6200  }
0x60: {  	[tilespmem:s25], [sflag:$0x2] =	stream.indirect_vreg.gather [hbm4b:s1+s4], $0x80, v3, vm0, $0xb8;
	[tilespmem:$0x10200] =	vst v63  }
0x61: {  	s26 =	simm.s32 $0x6A00  }
0x62: {  	[tilespmem:s26], [sflag:$0x2] =	stream.indirect_vreg.gather [hbm4b:s6+s4], $0x80, v3, vm0, $0xb8;
	[tilespmem:$0x10200] =	vst v63  }
0x63: {  	s31 =	simm.s32 $0x7200  }
0x64: {  	[tilespmem:s31], [sflag:$0x2] =	stream.indirect_vreg.gather [hbm4b:s7+s4], $0x80, v3, vm0, $0xb8;
	[tilespmem:$0x10200] =	vst v63  }
0x65: {  	s24 =	simm.s32 $0x7A00  }
0x66: {  	[tilespmem:s24], [sflag:$0x2] =	stream.indirect_vreg.gather [hbm4b:s8+s4], $0x80, v3, vm0, $0xb8;
	[tilespmem:$0x10200] =	vst v63  }
0x67: {  	s25 =	rddreg [dreg:$0x6];
	s26 =	simm.s32 $0x100  }
0x68: {  	[tilespmem:s26], [sflag:$0x9] =	stream.linear.gather [hbm4b:s25+s4], $0x10, $0x38;
	[tilespmem:$0x10200] =	vst v63  }
0x69: {  	_ =	swait.ge [sflag:s21], $0x10  }
0x6a: {  	[sflag:s21] =	ssyncset.done $0x0  }
0x6b: {  	[sflag:s21] =	ssyncadd.s32 $0xFFFFFFF0  }
0x6c: {  	v3 =	vld [tilespmem:$0x100];
	_ =	sdelay $0x4  }
0x6d: {  	v62 =	vshll.u32 v3, $0x3  }
0x6e: {  	v3 =	vand.u32 $0x7, v3;
	v4 =	vand.u32 $0xFFFFFFC0, v62  }
0x6f: {  	v3 =	vor.u32 v3, v4  }
0x70: {  	v4 =	vperm.xlane v3, v0;
	_ =	sdelay $0x1  }
0x71: {  	v4 =	vadd.s32 v1, v4;
	_ =	sdelay $0x4  }
0x72: {  	[tilespmem:s18], [sflag:$0x3] =	stream.indirect_vreg.gather [hbm4b:s1+s4], $0x80, v4, vm0, $0xb8;
	[tilespmem:$0x10200] =	vst v63  }
0x73: {  	s31 =	simm.s32 $0x8A00;
	v3 =	vperm.xlane v3, v2  }
0x74: {  	[tilespmem:s31], [sflag:$0x3] =	stream.indirect_vreg.gather [hbm4b:s6+s4], $0x80, v4, vm0, $0xb8;
	[tilespmem:$0x10200] =	vst v63  }
0x75: {  	s24 =	simm.s32 $0x9200;
	v3 =	vadd.s32 v1, v3  }
0x76: {  	[tilespmem:s24], [sflag:$0x3] =	stream.indirect_vreg.gather [hbm4b:s7+s4], $0x80, v4, vm0, $0xb8;
	[tilespmem:$0x10200] =	vst v63  }
0x77: {  	s25 =	simm.s32 $0x9A00  }
0x78: {  	[tilespmem:s25], [sflag:$0x3] =	stream.indirect_vreg.gather [hbm4b:s8+s4], $0x80, v4, vm0, $0xb8;
	[tilespmem:$0x10200] =	vst v63  }
0x79: {  	s26 =	simm.s32 $0xA200  }
0x7a: {  	[tilespmem:s26], [sflag:$0x3] =	stream.indirect_vreg.gather [hbm4b:s1+s4], $0x80, v3, vm0, $0xb8;
	[tilespmem:$0x10200] =	vst v63  }
0x7b: {  	s31 =	simm.s32 $0xAA00  }
0x7c: {  	[tilespmem:s31], [sflag:$0x3] =	stream.indirect_vreg.gather [hbm4b:s6+s4], $0x80, v3, vm0, $0xb8;
	[tilespmem:$0x10200] =	vst v63  }
0x7d: {  	s24 =	simm.s32 $0xB200  }
0x7e: {  	[tilespmem:s24], [sflag:$0x3] =	stream.indirect_vreg.gather [hbm4b:s7+s4], $0x80, v3, vm0, $0xb8;
	[tilespmem:$0x10200] =	vst v63  }
0x7f: {  	s25 =	simm.s32 $0xBA00  }
0x80: {  	[tilespmem:s25], [sflag:$0x3] =	stream.indirect_vreg.gather [hbm4b:s8+s4], $0x80, v3, vm0, $0xb8;
	[tilespmem:$0x10200] =	vst v63  }
0x81: {  	s26 =	rddreg [dreg:$0x7];
	s31 =	simm.s32 $0x180  }
0x82: {  	[tilespmem:s31], [sflag:$0x9] =	stream.linear.gather [hbm4b:s26+s4], $0x10, $0x38;
	[tilespmem:$0x10200] =	vst v63  }
0x83: {  	_ =	swait.ge [sflag:s21], $0x10  }
0x84: {  	[sflag:s21] =	ssyncset.done $0x0  }
0x85: {  	[sflag:s21] =	ssyncadd.s32 $0xFFFFFFF0  }
0x86: {  	v3 =	vld [tilespmem:$0x180];
	_ =	sdelay $0x4  }
0x87: {  	v63 =	vshll.u32 v3, $0x3  }
0x88: {  	v3 =	vand.u32 $0x7, v3;
	v4 =	vand.u32 $0xFFFFFFC0, v63  }
0x89: {  	v3 =	vor.u32 v3, v4  }
0x8a: {  	v4 =	vperm.xlane v3, v0;
	_ =	sdelay $0x1  }
0x8b: {  	v4 =	vadd.s32 v1, v4;
	_ =	sdelay $0x4  }
0x8c: {  	[tilespmem:s29], [sflag:$0x4] =	stream.indirect_vreg.gather [hbm4b:s1+s4], $0x80, v4, vm0, $0xb8;
	[tilespmem:$0x10200] =	vst v63  }
0x8d: {  	s25 =	simm.s32 $0xCA00;
	v3 =	vperm.xlane v3, v2  }
0x8e: {  	[tilespmem:s25], [sflag:$0x4] =	stream.indirect_vreg.gather [hbm4b:s6+s4], $0x80, v4, vm0, $0xb8;
	[tilespmem:$0x10200] =	vst v63  }
0x8f: {  	s26 =	simm.s32 $0xD200;
	v3 =	vadd.s32 v1, v3  }
0x90: {  	[tilespmem:s26], [sflag:$0x4] =	stream.indirect_vreg.gather [hbm4b:s7+s4], $0x80, v4, vm0, $0xb8;
	[tilespmem:$0x10200] =	vst v63  }
0x91: {  	s31 =	simm.s32 $0xDA00  }
0x92: {  	[tilespmem:s31], [sflag:$0x4] =	stream.indirect_vreg.gather [hbm4b:s8+s4], $0x80, v4, vm0, $0xb8;
	[tilespmem:$0x10200] =	vst v63  }
0x93: {  	s24 =	rddreg [dreg:$0xe]  }
0x94: {  	[tilespmem:s9], [sflag:$0x4] =	stream.indirect_vreg.gather [hbm4b:s1+s4], $0x80, v3, vm0, $0xb8;
	[tilespmem:$0x10200] =	vst v63  }
0x95: {  	s28 =	rddreg [dreg:$0xb]  }
0x96: {  	[tilespmem:s10], [sflag:$0x4] =	stream.indirect_vreg.gather [hbm4b:s6+s4], $0x80, v3, vm0, $0xb8;
	[tilespmem:$0x10200] =	vst v63  }
0x97: {  	s25 =	rddreg [dreg:$0xd]  }
0x98: {  	[tilespmem:s11], [sflag:$0x4] =	stream.indirect_vreg.gather [hbm4b:s7+s4], $0x80, v3, vm0, $0xb8;
	[tilespmem:$0x10200] =	vst v63  }
0x99: {  	s30 =	simm.s32 $0x0;
	s26 =	rddreg [dreg:$0xc]  }
0x9a: {  	[tilespmem:s12], [sflag:$0x4] =	stream.indirect_vreg.gather [hbm4b:s8+s4], $0x80, v3, vm0, $0xb8;
	[tilespmem:$0x10200] =	vst v63  }
.LBB2_2:
0x9b: {  	p0 =	seq.s32 s30, $0x30000  }
.Ltmp2:
0x9c: {  	_ = 	snop;
	(pc) =	sbr.rel @!p0 .LBB2_3-.Ltmp2, $4  }
0x9d: {  	_ =	swait.ge [sflag:s14], $0x4000  }
0x9e: {  	[sflag:s14] =	ssyncset.done $0x0  }
0x9f: {  	s31 =	sadd.s32 s30, s15;
	[sflag:s14] =	ssyncadd.s32 $0xFFFFC000  }
0xa0: {  	[hbm4b:s31+s4] =	stream.linear.scatter [tilespmem:s22], [sflag:$0x5], $0x4000, $0x38;
	[tilespmem:$0x10200] =	vst v63  }
.Ltmp3:
0xa1: {  	(pc) =	sbr.rel .LBB2_5-.Ltmp3, $4  }
0xa2: {  	_ =	swait.ge [sflag:s16], $0x4000  }
0xa3: {  	[sflag:s16] =	ssyncset.done $0x0  }
0xa4: {  	s0 =	rddreg [dreg:$0x9];
	[sflag:s16] =	ssyncadd.s32 $0xFFFFC000  }
0xa5: {  	[hbm4b:s0+s4] =	stream.linear.scatter [tilespmem:s2], [sflag:$0x6], $0x4000, $0x38;
	[tilespmem:$0x10200] =	vst v63  }
.LBB2_3:
0xa6: {  	_ =	swait.ge [sflag:s19], $0x4000  }
0xa7: {  	[sflag:s19] =	ssyncset.done $0x0  }
0xa8: {  	[sflag:s19] =	ssyncadd.s32 $0xFFFFC000  }
0xa9: {  	s31 =	sshrl.u32 s24, $0x3;
	s0 =	rddreg [dreg:$0x1]  }
0xaa: {  	s31 =	sadd.s32 s0, s31  }
0xab: {  	[tilespmem:s4], [sflag:$0x9] =	stream.linear.gather [hbm4b:s31+s4], $0x10, $0x38;
	[tilespmem:$0x10200] =	vst v63  }
0xac: {  	_ =	swait.ge [sflag:s21], $0x10  }
0xad: {  	[sflag:s21] =	ssyncset.done $0x0  }
0xae: {  	[sflag:s21] =	ssyncadd.s32 $0xFFFFFFF0  }
0xaf: {  	v3 =	vld [tilespmem:$0x0];
	_ =	sdelay $0x4  }
0xb0: {  	v4 =	vshll.u32 v3, $0x3  }
0xb1: {  	v3 =	vand.u32 $0x7, v3;
	v4 =	vand.u32 $0xFFFFFFC0, v4  }
0xb2: {  	v3 =	vor.u32 v3, v4  }
0xb3: {  	v4 =	vperm.xlane v3, v0;
	_ =	sdelay $0x1  }
0xb4: {  	v4 =	vadd.s32 v1, v4;
	_ =	sdelay $0x4  }
0xb5: {  	[tilespmem:s22], [sflag:$0x1] =	stream.indirect_vreg.gather [hbm4b:s1+s4], $0x80, v4, vm0, $0xb8;
	[tilespmem:$0x10200] =	vst v63  }
0xb6: {  	s31 =	simm.s32 $0xA00;
	v3 =	vperm.xlane v3, v2  }
0xb7: {  	[tilespmem:s31], [sflag:$0x1] =	stream.indirect_vreg.gather [hbm4b:s6+s4], $0x80, v4, vm0, $0xb8;
	[tilespmem:$0x10200] =	vst v63  }
0xb8: {  	v3 =	vadd.s32 v1, v3;
	s31 =	simm.s32 $0x1200  }
0xb9: {  	[tilespmem:s31], [sflag:$0x1] =	stream.indirect_vreg.gather [hbm4b:s7+s4], $0x80, v4, vm0, $0xb8;
	[tilespmem:$0x10200] =	vst v63  }
0xba: {  	s31 =	simm.s32 $0x1A00  }
0xbb: {  	[tilespmem:s31], [sflag:$0x1] =	stream.indirect_vreg.gather [hbm4b:s8+s4], $0x80, v4, vm0, $0xb8;
	[tilespmem:$0x10200] =	vst v63  }
0xbc: {  	s31 =	simm.s32 $0x2200  }
0xbd: {  	[tilespmem:s31], [sflag:$0x1] =	stream.indirect_vreg.gather [hbm4b:s1+s4], $0x80, v3, vm0, $0xb8;
	[tilespmem:$0x10200] =	vst v63  }
0xbe: {  	s31 =	simm.s32 $0x2A00  }
0xbf: {  	[tilespmem:s31], [sflag:$0x1] =	stream.indirect_vreg.gather [hbm4b:s6+s4], $0x80, v3, vm0, $0xb8;
	[tilespmem:$0x10200] =	vst v63  }
0xc0: {  	s31 =	simm.s32 $0x3200  }
0xc1: {  	[tilespmem:s31], [sflag:$0x1] =	stream.indirect_vreg.gather [hbm4b:s7+s4], $0x80, v3, vm0, $0xb8;
	[tilespmem:$0x10200] =	vst v63  }
0xc2: {  	s31 =	simm.s32 $0x3A00  }
0xc3: {  	[tilespmem:s31], [sflag:$0x1] =	stream.indirect_vreg.gather [hbm4b:s8+s4], $0x80, v3, vm0, $0xb8;
	[tilespmem:$0x10200] =	vst v63  }
0xc4: {  	_ =	swait.ge [sflag:s16], $0x4000  }
0xc5: {  	s0 =	sadd.s32 s30, s17;
	[sflag:s16] =	ssyncset.done $0x0  }
0xc6: {  	s31 =	sadd.s32 $0x800, s0;
	[sflag:s16] =	ssyncadd.s32 $0xFFFFC000  }
0xc7: {  	[hbm4b:s31+s4] =	stream.linear.scatter [tilespmem:s2], [sflag:$0x6], $0x4000, $0x38;
	[tilespmem:$0x10200] =	vst v63  }
0xc8: {  	_ =	swait.ge [sflag:s20], $0x4000  }
0xc9: {  	[sflag:s20] =	ssyncset.done $0x0  }
0xca: {  	s31 =	simm.s32 $0x80;
	[sflag:s20] =	ssyncadd.s32 $0xFFFFC000  }
0xcb: {  	[tilespmem:s31], [sflag:$0x9] =	stream.linear.gather [hbm4b:s25+s4], $0x10, $0x38;
	[tilespmem:$0x10200] =	vst v63  }
0xcc: {  	_ =	swait.ge [sflag:s21], $0x10  }
0xcd: {  	[sflag:s21] =	ssyncset.done $0x0  }
0xce: {  	[sflag:s21] =	ssyncadd.s32 $0xFFFFFFF0  }
0xcf: {  	v3 =	vld [tilespmem:$0x80];
	_ =	sdelay $0x4  }
0xd0: {  	v63 =	vshll.u32 v3, $0x3  }
0xd1: {  	v3 =	vand.u32 $0x7, v3;
	v4 =	vand.u32 $0xFFFFFFC0, v63  }
0xd2: {  	v3 =	vor.u32 v3, v4  }
0xd3: {  	v4 =	vperm.xlane v3, v0;
	_ =	sdelay $0x1  }
0xd4: {  	v4 =	vadd.s32 v1, v4;
	_ =	sdelay $0x4  }
0xd5: {  	[tilespmem:s2], [sflag:$0x2] =	stream.indirect_vreg.gather [hbm4b:s1+s4], $0x80, v4, vm0, $0xb8;
	[tilespmem:$0x10200] =	vst v63  }
0xd6: {  	s31 =	simm.s32 $0x4A00;
	v3 =	vperm.xlane v3, v2  }
0xd7: {  	[tilespmem:s31], [sflag:$0x2] =	stream.indirect_vreg.gather [hbm4b:s6+s4], $0x80, v4, vm0, $0xb8;
	[tilespmem:$0x10200] =	vst v63  }
0xd8: {  	v3 =	vadd.s32 v1, v3;
	s31 =	simm.s32 $0x5200  }
0xd9: {  	[tilespmem:s31], [sflag:$0x2] =	stream.indirect_vreg.gather [hbm4b:s7+s4], $0x80, v4, vm0, $0xb8;
	[tilespmem:$0x10200] =	vst v63  }
0xda: {  	s31 =	simm.s32 $0x5A00  }
0xdb: {  	[tilespmem:s31], [sflag:$0x2] =	stream.indirect_vreg.gather [hbm4b:s8+s4], $0x80, v4, vm0, $0xb8;
	[tilespmem:$0x10200] =	vst v63  }
0xdc: {  	s31 =	simm.s32 $0x6200  }
0xdd: {  	[tilespmem:s31], [sflag:$0x2] =	stream.indirect_vreg.gather [hbm4b:s1+s4], $0x80, v3, vm0, $0xb8;
	[tilespmem:$0x10200] =	vst v63  }
0xde: {  	s31 =	simm.s32 $0x6A00  }
0xdf: {  	[tilespmem:s31], [sflag:$0x2] =	stream.indirect_vreg.gather [hbm4b:s6+s4], $0x80, v3, vm0, $0xb8;
	[tilespmem:$0x10200] =	vst v63  }
0xe0: {  	s31 =	simm.s32 $0x7200  }
0xe1: {  	[tilespmem:s31], [sflag:$0x2] =	stream.indirect_vreg.gather [hbm4b:s7+s4], $0x80, v3, vm0, $0xb8;
	[tilespmem:$0x10200] =	vst v63  }
0xe2: {  	s31 =	simm.s32 $0x7A00  }
0xe3: {  	[tilespmem:s31], [sflag:$0x2] =	stream.indirect_vreg.gather [hbm4b:s8+s4], $0x80, v3, vm0, $0xb8;
	[tilespmem:$0x10200] =	vst v63  }
.LBB2_5:
.Ltmp4:
0xe4: {  	(pc) =	sbr.rel @p0 .LBB2_7-.Ltmp4, $4  }
0xe5: {  	_ =	swait.ge [sflag:s13], $0x4000  }
0xe6: {  	s31 =	sadd.s32 s30, s17;
	[sflag:s13] =	ssyncset.done $0x0  }
0xe7: {  	s0 =	sadd.s32 $0x1000, s31;
	[sflag:s13] =	ssyncadd.s32 $0xFFFFC000  }
0xe8: {  	[hbm4b:s0+s4] =	stream.linear.scatter [tilespmem:s18], [sflag:$0x7], $0x4000, $0x38;
	[tilespmem:$0x10200] =	vst v63  }
0xe9: {  	_ =	swait.ge [sflag:s3], $0x4000  }
0xea: {  	[sflag:s3] =	ssyncset.done $0x0  }
0xeb: {  	s0 =	simm.s32 $0x100;
	[sflag:s3] =	ssyncadd.s32 $0xFFFFC000  }
0xec: {  	[tilespmem:s0], [sflag:$0x9] =	stream.linear.gather [hbm4b:s26+s4], $0x10, $0x38;
	[tilespmem:$0x10200] =	vst v63  }
0xed: {  	_ =	swait.ge [sflag:s21], $0x10  }
0xee: {  	[sflag:s21] =	ssyncset.done $0x0  }
0xef: {  	[sflag:s21] =	ssyncadd.s32 $0xFFFFFFF0  }
0xf0: {  	v3 =	vld [tilespmem:$0x100];
	_ =	sdelay $0x4  }
0xf1: {  	v4 =	vshll.u32 v3, $0x3  }
0xf2: {  	v3 =	vand.u32 $0x7, v3;
	v4 =	vand.u32 $0xFFFFFFC0, v4  }
0xf3: {  	v3 =	vor.u32 v3, v4  }
0xf4: {  	v4 =	vperm.xlane v3, v0;
	_ =	sdelay $0x1  }
0xf5: {  	v4 =	vadd.s32 v1, v4;
	_ =	sdelay $0x4  }
0xf6: {  	[tilespmem:s18], [sflag:$0x3] =	stream.indirect_vreg.gather [hbm4b:s1+s4], $0x80, v4, vm0, $0xb8;
	[tilespmem:$0x10200] =	vst v63  }
0xf7: {  	s0 =	simm.s32 $0x8A00;
	v3 =	vperm.xlane v3, v2  }
0xf8: {  	[tilespmem:s0], [sflag:$0x3] =	stream.indirect_vreg.gather [hbm4b:s6+s4], $0x80, v4, vm0, $0xb8;
	[tilespmem:$0x10200] =	vst v63  }
0xf9: {  	v3 =	vadd.s32 v1, v3;
	s0 =	simm.s32 $0x9200  }
0xfa: {  	[tilespmem:s0], [sflag:$0x3] =	stream.indirect_vreg.gather [hbm4b:s7+s4], $0x80, v4, vm0, $0xb8;
	[tilespmem:$0x10200] =	vst v63  }
0xfb: {  	s0 =	simm.s32 $0x9A00  }
0xfc: {  	[tilespmem:s0], [sflag:$0x3] =	stream.indirect_vreg.gather [hbm4b:s8+s4], $0x80, v4, vm0, $0xb8;
	[tilespmem:$0x10200] =	vst v63  }
0xfd: {  	s0 =	simm.s32 $0xA200  }
0xfe: {  	[tilespmem:s0], [sflag:$0x3] =	stream.indirect_vreg.gather [hbm4b:s1+s4], $0x80, v3, vm0, $0xb8;
	[tilespmem:$0x10200] =	vst v63  }
0xff: {  	s0 =	simm.s32 $0xAA00  }
0x100: {  	[tilespmem:s0], [sflag:$0x3] =	stream.indirect_vreg.gather [hbm4b:s6+s4], $0x80, v3, vm0, $0xb8;
	[tilespmem:$0x10200] =	vst v63  }
0x101: {  	s0 =	simm.s32 $0xB200  }
0x102: {  	[tilespmem:s0], [sflag:$0x3] =	stream.indirect_vreg.gather [hbm4b:s7+s4], $0x80, v3, vm0, $0xb8;
	[tilespmem:$0x10200] =	vst v63  }
0x103: {  	s0 =	simm.s32 $0xBA00  }
0x104: {  	[tilespmem:s0], [sflag:$0x3] =	stream.indirect_vreg.gather [hbm4b:s8+s4], $0x80, v3, vm0, $0xb8;
	[tilespmem:$0x10200] =	vst v63  }
0x105: {  	_ =	swait.ge [sflag:s5], $0x4000  }
0x106: {  	[sflag:s5] =	ssyncset.done $0x0  }
0x107: {  	s31 =	sadd.s32 $0x1800, s31;
	[sflag:s5] =	ssyncadd.s32 $0xFFFFC000  }
0x108: {  	[hbm4b:s31+s4] =	stream.linear.scatter [tilespmem:s29], [sflag:$0x8], $0x4000, $0x38;
	[tilespmem:$0x10200] =	vst v63  }
0x109: {  	_ =	swait.ge [sflag:s23], $0x4000  }
0x10a: {  	[sflag:s23] =	ssyncset.done $0x0  }
0x10b: {  	s31 =	simm.s32 $0x180;
	[sflag:s23] =	ssyncadd.s32 $0xFFFFC000  }
0x10c: {  	[tilespmem:s31], [sflag:$0x9] =	stream.linear.gather [hbm4b:s28+s4], $0x10, $0x38;
	[tilespmem:$0x10200] =	vst v63  }
0x10d: {  	_ =	swait.ge [sflag:s21], $0x10  }
0x10e: {  	[sflag:s21] =	ssyncset.done $0x0  }
0x10f: {  	[sflag:s21] =	ssyncadd.s32 $0xFFFFFFF0  }
0x110: {  	v3 =	vld [tilespmem:$0x180];
	_ =	sdelay $0x4  }
0x111: {  	v63 =	vshll.u32 v3, $0x3  }
0x112: {  	v3 =	vand.u32 $0x7, v3;
	v4 =	vand.u32 $0xFFFFFFC0, v63  }
0x113: {  	v3 =	vor.u32 v3, v4  }
0x114: {  	v4 =	vperm.xlane v3, v0;
	_ =	sdelay $0x1  }
0x115: {  	v4 =	vadd.s32 v1, v4;
	_ =	sdelay $0x4  }
0x116: {  	[tilespmem:s29], [sflag:$0x4] =	stream.indirect_vreg.gather [hbm4b:s1+s4], $0x80, v4, vm0, $0xb8;
	[tilespmem:$0x10200] =	vst v63  }
0x117: {  	s31 =	simm.s32 $0xCA00;
	v3 =	vperm.xlane v3, v2  }
0x118: {  	[tilespmem:s31], [sflag:$0x4] =	stream.indirect_vreg.gather [hbm4b:s6+s4], $0x80, v4, vm0, $0xb8;
	[tilespmem:$0x10200] =	vst v63  }
0x119: {  	v3 =	vadd.s32 v1, v3;
	s31 =	simm.s32 $0xD200  }
0x11a: {  	[tilespmem:s31], [sflag:$0x4] =	stream.indirect_vreg.gather [hbm4b:s7+s4], $0x80, v4, vm0, $0xb8;
	[tilespmem:$0x10200] =	vst v63  }
0x11b: {  	s31 =	simm.s32 $0xDA00  }
0x11c: {  	[tilespmem:s31], [sflag:$0x4] =	stream.indirect_vreg.gather [hbm4b:s8+s4], $0x80, v4, vm0, $0xb8;
	[tilespmem:$0x10200] =	vst v63  }
0x11d: {  	_ = 	snop  }
0x11e: {  	[tilespmem:s9], [sflag:$0x4] =	stream.indirect_vreg.gather [hbm4b:s1+s4], $0x80, v3, vm0, $0xb8;
	[tilespmem:$0x10200] =	vst v63  }
0x11f: {  	_ = 	snop  }
0x120: {  	[tilespmem:s10], [sflag:$0x4] =	stream.indirect_vreg.gather [hbm4b:s6+s4], $0x80, v3, vm0, $0xb8;
	[tilespmem:$0x10200] =	vst v63  }
.Ltmp5:
0x121: {  	_ = 	snop;
	(pc) =	sbr.rel .LBB2_2-.Ltmp5, $4  }
0x122: {  	s30 =	sadd.s32 $0x2000, s30;
	s25 =	sadd.s32 $0x8, s25  }
0x123: {  	[tilespmem:s11], [sflag:$0x4] =	stream.indirect_vreg.gather [hbm4b:s7+s4], $0x80, v3, vm0, $0xb8;
	[tilespmem:$0x10200] =	vst v63  }
0x124: {  	s24 =	sadd.s32 $0x40, s24;
	s26 =	sadd.s32 $0x8, s26;
	s28 =	sadd.s32 $0x8, s28  }
0x125: {  	[tilespmem:s12], [sflag:$0x4] =	stream.indirect_vreg.gather [hbm4b:s8+s4], $0x80, v3, vm0, $0xb8;
	[tilespmem:$0x10200] =	vst v63  }
.LBB2_8:
0x126: {  	_ =	sfence.sel $0x180000  }
0x127: {  	[bflag:$0x0] =	sbarrier.arrive $0xFFFF  }
0x128: {  	_ =	strace $0x90000047  }
0x129: {  	s0 =	stileid.u32;
	[bflag:$0x2] =	sbarrier.arrive $0xFFFF  }
0x12a: {  	p0 =	sne.s32 s0, $0x0;
	s0 =	rddreg [dreg:$0x3]  }
0x12b: {  	s0 =	sadd.s32 @!p0 $0x100000, s0  }
0x12c: {  	[sflag:s0] =	ssyncadd.tile.s32 @!p0 $0x1;
	_ =	shalt  }
.Lfunc_end2:
_tile_overlayer_lowered:
.L_overlay_start_2:
0x12d: {  	(tag) =	ssettag $0x2  }
0x12e: {  	s0 =	rddreg [dreg:$0x0];
	s2 =	stileid.u32  }
0x12f: {  	s1 =	rddreg [dreg:$0x1];
	p0 =	sne.s32 s2, $0x0  }
0x130: {  	s3 =	rddreg [dreg:$0x2];
	[bflag:$0x3] =	sbarrier.arrive $0xFFFF;
	s2 =	simm.s32 @!p0 $0x1C09  }
0x131: {  	[timem:s3], [sflag:s2] =	dma.local @!p0 [hbm:s0], s1  }
0x132: {  	s0 =	simm.s32 @!p0 $0x9  }
0x133: {  	_ =	swait.ge @!p0 [sflag:s0], s1  }
0x134: {  	s1 =	ssub.s32 @!p0 $0x0, s1;
	[sflag:s0] =	ssyncset.done @!p0 $0x0  }
0x135: {  	[sflag:s0] =	ssyncadd.s32 @!p0 s1  }
0x136: {  	[bflag:$0x3] =	sbarrier.arrive $0xFFFF  }
0x137: {  	_ =	shalt  }

</sc_bundles>
